<compile_context>
chip_gen: v7x
topology: tpu7x:2x2x1
jax: 0.10.2.dev20260603
libtpu: 0.0.44.dev20260713+nightly
codegen_flags: <defaults>
</compile_context>

<pallas_src>
import functools

import jax
import jax.numpy as jnp
from jax import lax
from jax.experimental import pallas as pl
from jax.experimental.pallas import tpu as pltpu
from jax.experimental.pallas import tpu_sc as plsc

N = 10000
E = 320000
F = 128
H = 128
C = 16

NC = 2
NS = 16
NW = NC * NS
K = 128
NCHUNK = 80
EPAD = NW * NCHUNK * K
NPAD = 10240
RPT = NPAD // NS

_mesh = plsc.VectorSubcoreMesh(core_axis_name="c", subcore_axis_name="s")


def _deg_body(dst_hbm, ones_hbm, zeros_hbm, out_hbm, dstv, onesv, acc, sdeg):
    c = lax.axis_index("c")
    s = lax.axis_index("s")
    wid = s * NC + c
    pltpu.sync_copy(zeros_hbm.at[pl.ds(s * RPT, RPT)], acc.at[pl.ds(s * RPT, RPT)])
    pltpu.sync_copy(ones_hbm, onesv)
    pltpu.sync_copy(dst_hbm.at[wid], dstv)
    plsc.subcore_barrier()

    @pl.loop(0, NCHUNK, step=4)
    def _(j):
        for k in range(4):
            pltpu.async_copy(onesv, acc.at[dstv.at[j + k]], sdeg, add=True)
        for k in range(4):
            pltpu.make_async_copy(onesv, acc.at[dstv.at[j + k]], sdeg).wait()

    plsc.subcore_barrier()
    pltpu.sync_copy(acc.at[pl.ds(s * RPT, RPT)], out_hbm.at[c, pl.ds(s * RPT, RPT)])


def _agg_body(Dw, h_hbm, src_hbm, dst_hbm, zeros_hbm, out_hbm, srcv, dstv, rows, acc):
    c = lax.axis_index("c")
    s = lax.axis_index("s")
    wid = s * NC + c
    pltpu.sync_copy(zeros_hbm.at[pl.ds(s * RPT, RPT)], acc.at[pl.ds(s * RPT, RPT)])
    pltpu.sync_copy(src_hbm.at[wid], srcv)
    pltpu.sync_copy(dst_hbm.at[wid], dstv)
    plsc.subcore_barrier()

    @pl.loop(0, NCHUNK)
    def _(j):
        pltpu.sync_copy(h_hbm.at[srcv.at[j]], rows)
        pltpu.sync_copy(rows, acc.at[dstv.at[j]], add=True)

    plsc.subcore_barrier()
    pltpu.sync_copy(acc.at[pl.ds(s * RPT, RPT)], out_hbm.at[c, pl.ds(s * RPT, RPT)])


def _make_deg():
    return pl.kernel(
        _deg_body,
        out_type=jax.ShapeDtypeStruct((NC, NPAD, 16), jnp.float32),
        mesh=_mesh,
        compiler_params=pltpu.CompilerParams(use_tc_tiling_on_sc=False),
        scratch_types=[
            pltpu.VMEM((NCHUNK, K), jnp.int32),
            pltpu.VMEM((K, 16), jnp.float32),
            pltpu.VMEM_SHARED((NPAD, 16), jnp.float32),
            pltpu.SemaphoreType.DMA,
        ],
    )


def _make_agg(Dw):
    return pl.kernel(
        functools.partial(_agg_body, Dw),
        out_type=jax.ShapeDtypeStruct((NC, NPAD, Dw), jnp.float32),
        mesh=_mesh,
        compiler_params=pltpu.CompilerParams(use_tc_tiling_on_sc=False),
        scratch_types=[
            pltpu.VMEM((NCHUNK, K), jnp.int32),
            pltpu.VMEM((NCHUNK, K), jnp.int32),
            pltpu.VMEM((K, Dw), jnp.float32),
            pltpu.VMEM_SHARED((NPAD, Dw), jnp.float32),
        ],
    )


def _mm_body(x_ref, w_ref, o_ref):
    o_ref[...] = jnp.dot(x_ref[...], w_ref[...], preferred_element_type=jnp.float32)


def _norm_body(degp_ref, h1_ref, dinv_ref, h1s_ref):
    deg = degp_ref[0][:N, 0:1] + degp_ref[1][:N, 0:1] + 1.0
    dinv = lax.rsqrt(jnp.maximum(deg, 1.0))
    dinv_ref[...] = dinv
    h1s_ref[...] = h1_ref[...] * dinv


def _mid_body(agg_ref, h1s_ref, dinv_ref, b1_ref, w2_ref, h2s_ref):
    dinv = dinv_ref[...]
    agg = agg_ref[0][:N] + agg_ref[1][:N] + h1s_ref[...]
    z = jnp.maximum(agg * dinv + b1_ref[...], 0.0)
    h2s_ref[...] = jnp.dot(z * dinv, w2_ref[...], preferred_element_type=jnp.float32)


def _fin_body(agg_ref, h2s_ref, dinv_ref, b2_ref, out_ref):
    agg = agg_ref[0][:N] + agg_ref[1][:N] + h2s_ref[...]
    out_ref[...] = agg * dinv_ref[...] + b2_ref[...]


def kernel(x, edge_index, W1, b1, W2, b2):
    ei = edge_index.astype(jnp.int32)
    npad_e = EPAD - E
    dummy_dst = N + (jnp.arange(npad_e, dtype=jnp.int32) % (NPAD - N))
    src3 = jnp.concatenate([ei[0], jnp.zeros((npad_e,), jnp.int32)]).reshape(
        NW, NCHUNK, K)
    dst3 = jnp.concatenate([ei[1], dummy_dst]).reshape(NW, NCHUNK, K)
    ones_k = jnp.ones((K, 16), jnp.float32)
    zeros16 = jnp.zeros((NPAD, 16), jnp.float32)
    zeros128 = jnp.zeros((NPAD, H), jnp.float32)

    degp = _make_deg()(dst3, ones_k, zeros16)

    h1 = pl.pallas_call(
        _mm_body, out_shape=jax.ShapeDtypeStruct((N, H), jnp.float32)
    )(x, W1)

    dinv, h1s = pl.pallas_call(
        _norm_body,
        out_shape=(
            jax.ShapeDtypeStruct((N, 1), jnp.float32),
            jax.ShapeDtypeStruct((N, H), jnp.float32),
        ),
    )(degp, h1)

    agg1 = _make_agg(H)(h1s, src3, dst3, zeros128)

    h2s = pl.pallas_call(
        _mid_body, out_shape=jax.ShapeDtypeStruct((N, C), jnp.float32)
    )(agg1, h1s, dinv, b1.reshape(1, H), W2)

    agg2 = _make_agg(C)(h2s, src3, dst3, zeros16)

    out = pl.pallas_call(
        _fin_body, out_shape=jax.ShapeDtypeStruct((N, C), jnp.float32)
    )(agg2, h2s, dinv, b2.reshape(1, C))
    return out

# --- scband reference (transcript-rebuilt; emitter-appended) ---
"""Pipeline reference for scband-gcn-16329465660164 (READ-ONLY COPY).

The authoritative reference and input builder live on the scoring server;
editing this copy changes nothing except your own understanding.
"""

import jax, jax.numpy as jnp
import numpy as np

N = 10000
E = 320000
F = 128
H = 128
C = 16


def gcn_conv(x, edge_index, W, b):
    # PyG GCNConv: add self-loops, symmetric normalization, linear transform, scatter-add aggregation
    num_nodes = x.shape[0]
    loop = jnp.arange(num_nodes, dtype=edge_index.dtype)
    src = jnp.concatenate([edge_index[0], loop])
    dst = jnp.concatenate([edge_index[1], loop])
    deg = jnp.zeros((num_nodes,), dtype=x.dtype).at[dst].add(1.0)
    dinv = jax.lax.rsqrt(jnp.maximum(deg, 1.0))
    norm = dinv[src] * dinv[dst]
    h = x @ W  # [N, out]
    msg = h[src] * norm[:, None]  # gather + scale
    out = jnp.zeros((num_nodes, W.shape[1]), dtype=x.dtype).at[dst].add(msg)
    return out + b


def setup_inputs(seed: int = 0) -> dict:
    key = jax.random.key(seed)
    k1, k2, k3, k4, k5, k6 = jax.random.split(key, 6)
    x = jax.random.normal(k1, (N, F), dtype=jnp.float32)
    edge_index = jax.random.randint(k2, (2, E), 0, N)
    # Glorot-style init for GCNConv weights, zero bias (PyG default)
    W1 = jax.random.normal(k3, (F, H), dtype=jnp.float32) * (1.0 / np.sqrt(F))
    b1 = jnp.zeros((H,), dtype=jnp.float32)
    W2 = jax.random.normal(k4, (H, C), dtype=jnp.float32) * (1.0 / np.sqrt(H))
    b2 = jnp.zeros((C,), dtype=jnp.float32)
    return {"x": x, "edge_index": edge_index, "W1": W1, "b1": b1, "W2": W2, "b2": b2}


def reference(x, edge_index, W1, b1, W2, b2):
    h = gcn_conv(x, edge_index, W1, b1)
    h = jax.nn.relu(h)
    out = gcn_conv(h, edge_index, W2, b2)
    return out

if __name__ == "__main__":
    import jax
    _d = setup_inputs()
    print(jax.jit(kernel)(*tuple(_d.values())))

</pallas_src>

<mosaic_0001>
#map = affine_map<(d0, d1) -> (0, 0, 0)>
#map1 = affine_map<(d0, d1) -> (0, 0)>
module attributes {stable_mosaic.version = 14 : i64} {
  func.func @_deg_body(%arg0: i32, %arg1: i32, %arg2: memref<32x80x128xi32, #tpu.memory_space<hbm>>, %arg3: memref<128x16xf32, #tpu.memory_space<hbm>>, %arg4: memref<10240x16xf32, #tpu.memory_space<hbm>>, %arg5: memref<2x10240x16xf32, #tpu.memory_space<hbm>>, %arg6: memref<80x128xi32, #tpu.memory_space<vmem>>, %arg7: memref<128x16xf32, #tpu.memory_space<vmem>>, %arg8: memref<10240x16xf32, #tpu.memory_space<vmem_shared>>, %arg9: memref<!tpu.dma_semaphore, #tpu.memory_space<semaphore_mem>>) attributes {dimension_semantics = [#tpu.dimension_semantics<core_parallel>, #tpu.dimension_semantics<subcore_parallel>], iteration_bounds = array<i64: 2, 16>, scalar_prefetch = 0 : i64, scratch_operands = 4 : i64, tpu.core_type = #tpu.core_type<sc_vector_subcore>, window_params = [{transform_indices = #map}, {transform_indices = #map1}, {transform_indices = #map1}, {transform_indices = #map}]} {
    %mul3A = arith.constant 2 : i32
    %mul3A_0 = arith.muli %arg1, %mul3A : i32
    %add3A = arith.addi %mul3A_0, %arg0 : i32
    %mul3A_1 = arith.constant 640 : i32
    %mul3A_2 = arith.muli %arg1, %mul3A_1 : i32
    %mul3A_3 = arith.constant 640 : i32
    %mul3A_4 = arith.muli %arg1, %mul3A_3 : i32
    "tpu.region"() ({
      %run_scoped3A = tpu.sem_alloc : memref<!tpu.dma_semaphore, #tpu.memory_space<semaphore_mem>>
      %dma_start3A = arith.constant 0 : i32
      %dma_start3A_14 = tpu.memref_slice %arg8[%mul3A_4, %dma_start3A] : memref<10240x16xf32, #tpu.memory_space<vmem_shared>> -> memref<640x16xf32, #tpu.memory_space<vmem_shared>>
      %dma_start3A_15 = arith.constant 0 : i32
      %dma_start3A_16 = tpu.memref_slice %arg4[%mul3A_2, %dma_start3A_15] : memref<10240x16xf32, #tpu.memory_space<hbm>> -> memref<640x16xf32, #tpu.memory_space<hbm>>
      tpu.enqueue_dma source(%dma_start3A_16 : memref<640x16xf32, #tpu.memory_space<hbm>>) target(%dma_start3A_14 : memref<640x16xf32, #tpu.memory_space<vmem_shared>>) target_semaphore(%run_scoped3A : memref<!tpu.dma_semaphore, #tpu.memory_space<semaphore_mem>>)
      %dma_wait3A = arith.constant 0 : i32
      %dma_wait3A_17 = tpu.memref_slice %arg8[%mul3A_4, %dma_wait3A] : memref<10240x16xf32, #tpu.memory_space<vmem_shared>> -> memref<640x16xf32, #tpu.memory_space<vmem_shared>>
      %dma_wait3A_18 = arith.constant 0 : i32
      %dma_wait3A_19 = tpu.memref_slice %arg4[%mul3A_2, %dma_wait3A_18] : memref<10240x16xf32, #tpu.memory_space<hbm>> -> memref<640x16xf32, #tpu.memory_space<hbm>>
      tpu.wait_dma2 semaphore(%run_scoped3A : memref<!tpu.dma_semaphore, #tpu.memory_space<semaphore_mem>>) src(%dma_wait3A_19 : memref<640x16xf32, #tpu.memory_space<hbm>>) dst(%dma_wait3A_17 : memref<640x16xf32, #tpu.memory_space<vmem_shared>>)
      tpu.yield
    }) : () -> ()
    "tpu.region"() ({
      %run_scoped3A = tpu.sem_alloc : memref<!tpu.dma_semaphore, #tpu.memory_space<semaphore_mem>>
      tpu.enqueue_dma source(%arg3 : memref<128x16xf32, #tpu.memory_space<hbm>>) target(%arg7 : memref<128x16xf32, #tpu.memory_space<vmem>>) target_semaphore(%run_scoped3A : memref<!tpu.dma_semaphore, #tpu.memory_space<semaphore_mem>>)
      tpu.wait_dma2 semaphore(%run_scoped3A : memref<!tpu.dma_semaphore, #tpu.memory_space<semaphore_mem>>) src(%arg3 : memref<128x16xf32, #tpu.memory_space<hbm>>) dst(%arg7 : memref<128x16xf32, #tpu.memory_space<vmem>>)
      tpu.yield
    }) : () -> ()
    "tpu.region"() ({
      %run_scoped3A = tpu.sem_alloc : memref<!tpu.dma_semaphore, #tpu.memory_space<semaphore_mem>>
      %dma_start3A = arith.constant 0 : i32
      %dma_start3A_14 = arith.constant 0 : i32
      %dma_start3A_15 = tpu.memref_slice %arg2[%add3A, %dma_start3A, %dma_start3A_14] : memref<32x80x128xi32, #tpu.memory_space<hbm>> -> memref<1x80x128xi32, #tpu.memory_space<hbm>>
      %dma_start3A_16 = tpu.memref_squeeze %dma_start3A_15 : memref<1x80x128xi32, #tpu.memory_space<hbm>> -> memref<80x128xi32, #tpu.memory_space<hbm>>
      %dma_start3A_17 = arith.constant 0 : i32
      %dma_start3A_18 = arith.constant 0 : i32
      %dma_start3A_19 = tpu.memref_slice %arg2[%add3A, %dma_start3A_17, %dma_start3A_18] : memref<32x80x128xi32, #tpu.memory_space<hbm>> -> memref<1x80x128xi32, #tpu.memory_space<hbm>>
      %dma_start3A_20 = tpu.memref_squeeze %dma_start3A_19 : memref<1x80x128xi32, #tpu.memory_space<hbm>> -> memref<80x128xi32, #tpu.memory_space<hbm>>
      tpu.enqueue_dma source(%dma_start3A_20 : memref<80x128xi32, #tpu.memory_space<hbm>>) target(%arg6 : memref<80x128xi32, #tpu.memory_space<vmem>>) target_semaphore(%run_scoped3A : memref<!tpu.dma_semaphore, #tpu.memory_space<semaphore_mem>>)
      %dma_wait3A = arith.constant 0 : i32
      %dma_wait3A_21 = arith.constant 0 : i32
      %dma_wait3A_22 = tpu.memref_slice %arg2[%add3A, %dma_wait3A, %dma_wait3A_21] : memref<32x80x128xi32, #tpu.memory_space<hbm>> -> memref<1x80x128xi32, #tpu.memory_space<hbm>>
      %dma_wait3A_23 = tpu.memref_squeeze %dma_wait3A_22 : memref<1x80x128xi32, #tpu.memory_space<hbm>> -> memref<80x128xi32, #tpu.memory_space<hbm>>
      %dma_wait3A_24 = arith.constant 0 : i32
      %dma_wait3A_25 = arith.constant 0 : i32
      %dma_wait3A_26 = tpu.memref_slice %arg2[%add3A, %dma_wait3A_24, %dma_wait3A_25] : memref<32x80x128xi32, #tpu.memory_space<hbm>> -> memref<1x80x128xi32, #tpu.memory_space<hbm>>
      %dma_wait3A_27 = tpu.memref_squeeze %dma_wait3A_26 : memref<1x80x128xi32, #tpu.memory_space<hbm>> -> memref<80x128xi32, #tpu.memory_space<hbm>>
      tpu.wait_dma2 semaphore(%run_scoped3A : memref<!tpu.dma_semaphore, #tpu.memory_space<semaphore_mem>>) src(%dma_wait3A_27 : memref<80x128xi32, #tpu.memory_space<hbm>>) dst(%arg6 : memref<80x128xi32, #tpu.memory_space<vmem>>)
      tpu.yield
    }) : () -> ()
    %barrier3A = arith.constant 0 : index
    tpu.barrier barrier_id(%barrier3A)
    %scan3A = arith.constant 0 : i32
    %scan3A_5 = arith.constant 20 : i32
    %scan3A_6 = arith.addi %scan3A, %scan3A_5 : i32
    %scan3A_7 = arith.constant 1 : i32
    scf.for %scan3A_14 = %scan3A to %scan3A_6 step %scan3A_7  : i32 {
      %mul3A_15 = arith.constant 4 : i32
      %mul3A_16 = arith.muli %scan3A_14, %mul3A_15 : i32
      %add3A_17 = arith.constant 0 : i32
      %add3A_18 = arith.addi %add3A_17, %mul3A_16 : i32
      %add3A_19 = arith.constant 0 : i32
      %add3A_20 = arith.addi %add3A_18, %add3A_19 : i32
      %dma_start3A = arith.constant 0 : i32
      %dma_start3A_21 = tpu.memref_slice %arg6[%add3A_20, %dma_start3A] : memref<80x128xi32, #tpu.memory_space<vmem>> -> memref<1x128xi32, #tpu.memory_space<vmem>>
      %dma_start3A_22 = tpu.memref_squeeze %dma_start3A_21 : memref<1x128xi32, #tpu.memory_space<vmem>> -> memref<128xi32, #tpu.memory_space<vmem>>
      %dma_start3A_23 = arith.constant 0 : i32
      %dma_start3A_24 = arith.constant 0 : i32
      %dma_start3A_25 = tpu.memref_slice %arg8[%dma_start3A_23, %dma_start3A_24] : memref<10240x16xf32, #tpu.memory_space<vmem_shared>> -> memref<10240x16xf32, #tpu.memory_space<vmem_shared>>
      tpu.enqueue_indirect_dma source(%arg7 : memref<128x16xf32, #tpu.memory_space<vmem>>) target(%dma_start3A_25 : memref<10240x16xf32, #tpu.memory_space<vmem_shared>>) offsets(%dma_start3A_22 : memref<128xi32, #tpu.memory_space<vmem>>) semaphore(%arg9 : memref<!tpu.dma_semaphore, #tpu.memory_space<semaphore_mem>>) {add = true}
      %add3A_26 = arith.constant 1 : i32
      %add3A_27 = arith.addi %add3A_18, %add3A_26 : i32
      %dma_start3A_28 = arith.constant 0 : i32
      %dma_start3A_29 = tpu.memref_slice %arg6[%add3A_27, %dma_start3A_28] : memref<80x128xi32, #tpu.memory_space<vmem>> -> memref<1x128xi32, #tpu.memory_space<vmem>>
      %dma_start3A_30 = tpu.memref_squeeze %dma_start3A_29 : memref<1x128xi32, #tpu.memory_space<vmem>> -> memref<128xi32, #tpu.memory_space<vmem>>
      %dma_start3A_31 = arith.constant 0 : i32
      %dma_start3A_32 = arith.constant 0 : i32
      %dma_start3A_33 = tpu.memref_slice %arg8[%dma_start3A_31, %dma_start3A_32] : memref<10240x16xf32, #tpu.memory_space<vmem_shared>> -> memref<10240x16xf32, #tpu.memory_space<vmem_shared>>
      tpu.enqueue_indirect_dma source(%arg7 : memref<128x16xf32, #tpu.memory_space<vmem>>) target(%dma_start3A_33 : memref<10240x16xf32, #tpu.memory_space<vmem_shared>>) offsets(%dma_start3A_30 : memref<128xi32, #tpu.memory_space<vmem>>) semaphore(%arg9 : memref<!tpu.dma_semaphore, #tpu.memory_space<semaphore_mem>>) {add = true}
      %add3A_34 = arith.constant 2 : i32
      %add3A_35 = arith.addi %add3A_18, %add3A_34 : i32
      %dma_start3A_36 = arith.constant 0 : i32
      %dma_start3A_37 = tpu.memref_slice %arg6[%add3A_35, %dma_start3A_36] : memref<80x128xi32, #tpu.memory_space<vmem>> -> memref<1x128xi32, #tpu.memory_space<vmem>>
      %dma_start3A_38 = tpu.memref_squeeze %dma_start3A_37 : memref<1x128xi32, #tpu.memory_space<vmem>> -> memref<128xi32, #tpu.memory_space<vmem>>
      %dma_start3A_39 = arith.constant 0 : i32
      %dma_start3A_40 = arith.constant 0 : i32
      %dma_start3A_41 = tpu.memref_slice %arg8[%dma_start3A_39, %dma_start3A_40] : memref<10240x16xf32, #tpu.memory_space<vmem_shared>> -> memref<10240x16xf32, #tpu.memory_space<vmem_shared>>
      tpu.enqueue_indirect_dma source(%arg7 : memref<128x16xf32, #tpu.memory_space<vmem>>) target(%dma_start3A_41 : memref<10240x16xf32, #tpu.memory_space<vmem_shared>>) offsets(%dma_start3A_38 : memref<128xi32, #tpu.memory_space<vmem>>) semaphore(%arg9 : memref<!tpu.dma_semaphore, #tpu.memory_space<semaphore_mem>>) {add = true}
      %add3A_42 = arith.constant 3 : i32
      %add3A_43 = arith.addi %add3A_18, %add3A_42 : i32
      %dma_start3A_44 = arith.constant 0 : i32
      %dma_start3A_45 = tpu.memref_slice %arg6[%add3A_43, %dma_start3A_44] : memref<80x128xi32, #tpu.memory_space<vmem>> -> memref<1x128xi32, #tpu.memory_space<vmem>>
      %dma_start3A_46 = tpu.memref_squeeze %dma_start3A_45 : memref<1x128xi32, #tpu.memory_space<vmem>> -> memref<128xi32, #tpu.memory_space<vmem>>
      %dma_start3A_47 = arith.constant 0 : i32
      %dma_start3A_48 = arith.constant 0 : i32
      %dma_start3A_49 = tpu.memref_slice %arg8[%dma_start3A_47, %dma_start3A_48] : memref<10240x16xf32, #tpu.memory_space<vmem_shared>> -> memref<10240x16xf32, #tpu.memory_space<vmem_shared>>
      tpu.enqueue_indirect_dma source(%arg7 : memref<128x16xf32, #tpu.memory_space<vmem>>) target(%dma_start3A_49 : memref<10240x16xf32, #tpu.memory_space<vmem_shared>>) offsets(%dma_start3A_46 : memref<128xi32, #tpu.memory_space<vmem>>) semaphore(%arg9 : memref<!tpu.dma_semaphore, #tpu.memory_space<semaphore_mem>>) {add = true}
      %add3A_50 = arith.constant 0 : i32
      %add3A_51 = arith.addi %add3A_18, %add3A_50 : i32
      %dma_wait3A = arith.constant 0 : i32
      %dma_wait3A_52 = tpu.memref_slice %arg6[%add3A_51, %dma_wait3A] : memref<80x128xi32, #tpu.memory_space<vmem>> -> memref<1x128xi32, #tpu.memory_space<vmem>>
      %dma_wait3A_53 = tpu.memref_squeeze %dma_wait3A_52 : memref<1x128xi32, #tpu.memory_space<vmem>> -> memref<128xi32, #tpu.memory_space<vmem>>
      %dma_wait3A_54 = arith.constant 0 : i32
      %dma_wait3A_55 = arith.constant 0 : i32
      %dma_wait3A_56 = tpu.memref_slice %arg8[%dma_wait3A_54, %dma_wait3A_55] : memref<10240x16xf32, #tpu.memory_space<vmem_shared>> -> memref<10240x16xf32, #tpu.memory_space<vmem_shared>>
      tpu.wait_indirect_dma semaphore(%arg9 : memref<!tpu.dma_semaphore, #tpu.memory_space<semaphore_mem>>) src(%arg7 : memref<128x16xf32, #tpu.memory_space<vmem>>) dst(%dma_wait3A_56 : memref<10240x16xf32, #tpu.memory_space<vmem_shared>>)
      %add3A_57 = arith.constant 1 : i32
      %add3A_58 = arith.addi %add3A_18, %add3A_57 : i32
      %dma_wait3A_59 = arith.constant 0 : i32
      %dma_wait3A_60 = tpu.memref_slice %arg6[%add3A_58, %dma_wait3A_59] : memref<80x128xi32, #tpu.memory_space<vmem>> -> memref<1x128xi32, #tpu.memory_space<vmem>>
      %dma_wait3A_61 = tpu.memref_squeeze %dma_wait3A_60 : memref<1x128xi32, #tpu.memory_space<vmem>> -> memref<128xi32, #tpu.memory_space<vmem>>
      %dma_wait3A_62 = arith.constant 0 : i32
      %dma_wait3A_63 = arith.constant 0 : i32
      %dma_wait3A_64 = tpu.memref_slice %arg8[%dma_wait3A_62, %dma_wait3A_63] : memref<10240x16xf32, #tpu.memory_space<vmem_shared>> -> memref<10240x16xf32, #tpu.memory_space<vmem_shared>>
      tpu.wait_indirect_dma semaphore(%arg9 : memref<!tpu.dma_semaphore, #tpu.memory_space<semaphore_mem>>) src(%arg7 : memref<128x16xf32, #tpu.memory_space<vmem>>) dst(%dma_wait3A_64 : memref<10240x16xf32, #tpu.memory_space<vmem_shared>>)
      %add3A_65 = arith.constant 2 : i32
      %add3A_66 = arith.addi %add3A_18, %add3A_65 : i32
      %dma_wait3A_67 = arith.constant 0 : i32
      %dma_wait3A_68 = tpu.memref_slice %arg6[%add3A_66, %dma_wait3A_67] : memref<80x128xi32, #tpu.memory_space<vmem>> -> memref<1x128xi32, #tpu.memory_space<vmem>>
      %dma_wait3A_69 = tpu.memref_squeeze %dma_wait3A_68 : memref<1x128xi32, #tpu.memory_space<vmem>> -> memref<128xi32, #tpu.memory_space<vmem>>
      %dma_wait3A_70 = arith.constant 0 : i32
      %dma_wait3A_71 = arith.constant 0 : i32
      %dma_wait3A_72 = tpu.memref_slice %arg8[%dma_wait3A_70, %dma_wait3A_71] : memref<10240x16xf32, #tpu.memory_space<vmem_shared>> -> memref<10240x16xf32, #tpu.memory_space<vmem_shared>>
      tpu.wait_indirect_dma semaphore(%arg9 : memref<!tpu.dma_semaphore, #tpu.memory_space<semaphore_mem>>) src(%arg7 : memref<128x16xf32, #tpu.memory_space<vmem>>) dst(%dma_wait3A_72 : memref<10240x16xf32, #tpu.memory_space<vmem_shared>>)
      %add3A_73 = arith.constant 3 : i32
      %add3A_74 = arith.addi %add3A_18, %add3A_73 : i32
      %dma_wait3A_75 = arith.constant 0 : i32
      %dma_wait3A_76 = tpu.memref_slice %arg6[%add3A_74, %dma_wait3A_75] : memref<80x128xi32, #tpu.memory_space<vmem>> -> memref<1x128xi32, #tpu.memory_space<vmem>>
      %dma_wait3A_77 = tpu.memref_squeeze %dma_wait3A_76 : memref<1x128xi32, #tpu.memory_space<vmem>> -> memref<128xi32, #tpu.memory_space<vmem>>
      %dma_wait3A_78 = arith.constant 0 : i32
      %dma_wait3A_79 = arith.constant 0 : i32
      %dma_wait3A_80 = tpu.memref_slice %arg8[%dma_wait3A_78, %dma_wait3A_79] : memref<10240x16xf32, #tpu.memory_space<vmem_shared>> -> memref<10240x16xf32, #tpu.memory_space<vmem_shared>>
      tpu.wait_indirect_dma semaphore(%arg9 : memref<!tpu.dma_semaphore, #tpu.memory_space<semaphore_mem>>) src(%arg7 : memref<128x16xf32, #tpu.memory_space<vmem>>) dst(%dma_wait3A_80 : memref<10240x16xf32, #tpu.memory_space<vmem_shared>>)
    }
    %scan3A_8 = arith.constant 20 : i32
    %barrier3A_9 = arith.constant 0 : index
    tpu.barrier barrier_id(%barrier3A_9)
    %mul3A_10 = arith.constant 640 : i32
    %mul3A_11 = arith.muli %arg1, %mul3A_10 : i32
    %mul3A_12 = arith.constant 640 : i32
    %mul3A_13 = arith.muli %arg1, %mul3A_12 : i32
    "tpu.region"() ({
      %run_scoped3A = tpu.sem_alloc : memref<!tpu.dma_semaphore, #tpu.memory_space<semaphore_mem>>
      %dma_start3A = arith.constant 0 : i32
      %dma_start3A_14 = tpu.memref_slice %arg5[%arg0, %mul3A_13, %dma_start3A] : memref<2x10240x16xf32, #tpu.memory_space<hbm>> -> memref<1x640x16xf32, #tpu.memory_space<hbm>>
      %dma_start3A_15 = tpu.memref_squeeze %dma_start3A_14 : memref<1x640x16xf32, #tpu.memory_space<hbm>> -> memref<640x16xf32, #tpu.memory_space<hbm>>
      %dma_start3A_16 = arith.constant 0 : i32
      %dma_start3A_17 = tpu.memref_slice %arg8[%mul3A_11, %dma_start3A_16] : memref<10240x16xf32, #tpu.memory_space<vmem_shared>> -> memref<640x16xf32, #tpu.memory_space<vmem_shared>>
      tpu.enqueue_dma source(%dma_start3A_17 : memref<640x16xf32, #tpu.memory_space<vmem_shared>>) target(%dma_start3A_15 : memref<640x16xf32, #tpu.memory_space<hbm>>) target_semaphore(%run_scoped3A : memref<!tpu.dma_semaphore, #tpu.memory_space<semaphore_mem>>)
      %dma_wait3A = arith.constant 0 : i32
      %dma_wait3A_18 = tpu.memref_slice %arg5[%arg0, %mul3A_13, %dma_wait3A] : memref<2x10240x16xf32, #tpu.memory_space<hbm>> -> memref<1x640x16xf32, #tpu.memory_space<hbm>>
      %dma_wait3A_19 = tpu.memref_squeeze %dma_wait3A_18 : memref<1x640x16xf32, #tpu.memory_space<hbm>> -> memref<640x16xf32, #tpu.memory_space<hbm>>
      %dma_wait3A_20 = arith.constant 0 : i32
      %dma_wait3A_21 = tpu.memref_slice %arg8[%mul3A_11, %dma_wait3A_20] : memref<10240x16xf32, #tpu.memory_space<vmem_shared>> -> memref<640x16xf32, #tpu.memory_space<vmem_shared>>
      tpu.wait_dma2 semaphore(%run_scoped3A : memref<!tpu.dma_semaphore, #tpu.memory_space<semaphore_mem>>) src(%dma_wait3A_21 : memref<640x16xf32, #tpu.memory_space<vmem_shared>>) dst(%dma_wait3A_19 : memref<640x16xf32, #tpu.memory_space<hbm>>)
      tpu.yield
    }) : () -> ()
    return
  }
}

#map = affine_map<(d0, d1) -> (0, 0)>
#map1 = affine_map<(d0, d1) -> (0, 0, 0)>
module attributes {stable_mosaic.version = 14 : i64} {
  func.func @_agg_body(%arg0: i32, %arg1: i32, %arg2: memref<10000x128xf32, #tpu.memory_space<hbm>>, %arg3: memref<32x80x128xi32, #tpu.memory_space<hbm>>, %arg4: memref<32x80x128xi32, #tpu.memory_space<hbm>>, %arg5: memref<10240x128xf32, #tpu.memory_space<hbm>>, %arg6: memref<2x10240x128xf32, #tpu.memory_space<hbm>>, %arg7: memref<80x128xi32, #tpu.memory_space<vmem>>, %arg8: memref<80x128xi32, #tpu.memory_space<vmem>>, %arg9: memref<128x128xf32, #tpu.memory_space<vmem>>, %arg10: memref<10240x128xf32, #tpu.memory_space<vmem_shared>>) attributes {dimension_semantics = [#tpu.dimension_semantics<core_parallel>, #tpu.dimension_semantics<subcore_parallel>], iteration_bounds = array<i64: 2, 16>, scalar_prefetch = 0 : i64, scratch_operands = 4 : i64, tpu.core_type = #tpu.core_type<sc_vector_subcore>, window_params = [{transform_indices = #map}, {transform_indices = #map1}, {transform_indices = #map1}, {transform_indices = #map}, {transform_indices = #map1}]} {
    %mul3A = arith.constant 2 : i32
    %mul3A_0 = arith.muli %arg1, %mul3A : i32
    %add3A = arith.addi %mul3A_0, %arg0 : i32
    %mul3A_1 = arith.constant 640 : i32
    %mul3A_2 = arith.muli %arg1, %mul3A_1 : i32
    %mul3A_3 = arith.constant 640 : i32
    %mul3A_4 = arith.muli %arg1, %mul3A_3 : i32
    "tpu.region"() ({
      %run_scoped3A = tpu.sem_alloc : memref<!tpu.dma_semaphore, #tpu.memory_space<semaphore_mem>>
      %dma_start3A = arith.constant 0 : i32
      %dma_start3A_14 = tpu.memref_slice %arg10[%mul3A_4, %dma_start3A] : memref<10240x128xf32, #tpu.memory_space<vmem_shared>> -> memref<640x128xf32, #tpu.memory_space<vmem_shared>>
      %dma_start3A_15 = arith.constant 0 : i32
      %dma_start3A_16 = tpu.memref_slice %arg5[%mul3A_2, %dma_start3A_15] : memref<10240x128xf32, #tpu.memory_space<hbm>> -> memref<640x128xf32, #tpu.memory_space<hbm>>
      tpu.enqueue_dma source(%dma_start3A_16 : memref<640x128xf32, #tpu.memory_space<hbm>>) target(%dma_start3A_14 : memref<640x128xf32, #tpu.memory_space<vmem_shared>>) target_semaphore(%run_scoped3A : memref<!tpu.dma_semaphore, #tpu.memory_space<semaphore_mem>>)
      %dma_wait3A = arith.constant 0 : i32
      %dma_wait3A_17 = tpu.memref_slice %arg10[%mul3A_4, %dma_wait3A] : memref<10240x128xf32, #tpu.memory_space<vmem_shared>> -> memref<640x128xf32, #tpu.memory_space<vmem_shared>>
      %dma_wait3A_18 = arith.constant 0 : i32
      %dma_wait3A_19 = tpu.memref_slice %arg5[%mul3A_2, %dma_wait3A_18] : memref<10240x128xf32, #tpu.memory_space<hbm>> -> memref<640x128xf32, #tpu.memory_space<hbm>>
      tpu.wait_dma2 semaphore(%run_scoped3A : memref<!tpu.dma_semaphore, #tpu.memory_space<semaphore_mem>>) src(%dma_wait3A_19 : memref<640x128xf32, #tpu.memory_space<hbm>>) dst(%dma_wait3A_17 : memref<640x128xf32, #tpu.memory_space<vmem_shared>>)
      tpu.yield
    }) : () -> ()
    "tpu.region"() ({
      %run_scoped3A = tpu.sem_alloc : memref<!tpu.dma_semaphore, #tpu.memory_space<semaphore_mem>>
      %dma_start3A = arith.constant 0 : i32
      %dma_start3A_14 = arith.constant 0 : i32
      %dma_start3A_15 = tpu.memref_slice %arg3[%add3A, %dma_start3A, %dma_start3A_14] : memref<32x80x128xi32, #tpu.memory_space<hbm>> -> memref<1x80x128xi32, #tpu.memory_space<hbm>>
      %dma_start3A_16 = tpu.memref_squeeze %dma_start3A_15 : memref<1x80x128xi32, #tpu.memory_space<hbm>> -> memref<80x128xi32, #tpu.memory_space<hbm>>
      %dma_start3A_17 = arith.constant 0 : i32
      %dma_start3A_18 = arith.constant 0 : i32
      %dma_start3A_19 = tpu.memref_slice %arg3[%add3A, %dma_start3A_17, %dma_start3A_18] : memref<32x80x128xi32, #tpu.memory_space<hbm>> -> memref<1x80x128xi32, #tpu.memory_space<hbm>>
      %dma_start3A_20 = tpu.memref_squeeze %dma_start3A_19 : memref<1x80x128xi32, #tpu.memory_space<hbm>> -> memref<80x128xi32, #tpu.memory_space<hbm>>
      tpu.enqueue_dma source(%dma_start3A_20 : memref<80x128xi32, #tpu.memory_space<hbm>>) target(%arg7 : memref<80x128xi32, #tpu.memory_space<vmem>>) target_semaphore(%run_scoped3A : memref<!tpu.dma_semaphore, #tpu.memory_space<semaphore_mem>>)
      %dma_wait3A = arith.constant 0 : i32
      %dma_wait3A_21 = arith.constant 0 : i32
      %dma_wait3A_22 = tpu.memref_slice %arg3[%add3A, %dma_wait3A, %dma_wait3A_21] : memref<32x80x128xi32, #tpu.memory_space<hbm>> -> memref<1x80x128xi32, #tpu.memory_space<hbm>>
      %dma_wait3A_23 = tpu.memref_squeeze %dma_wait3A_22 : memref<1x80x128xi32, #tpu.memory_space<hbm>> -> memref<80x128xi32, #tpu.memory_space<hbm>>
      %dma_wait3A_24 = arith.constant 0 : i32
      %dma_wait3A_25 = arith.constant 0 : i32
      %dma_wait3A_26 = tpu.memref_slice %arg3[%add3A, %dma_wait3A_24, %dma_wait3A_25] : memref<32x80x128xi32, #tpu.memory_space<hbm>> -> memref<1x80x128xi32, #tpu.memory_space<hbm>>
      %dma_wait3A_27 = tpu.memref_squeeze %dma_wait3A_26 : memref<1x80x128xi32, #tpu.memory_space<hbm>> -> memref<80x128xi32, #tpu.memory_space<hbm>>
      tpu.wait_dma2 semaphore(%run_scoped3A : memref<!tpu.dma_semaphore, #tpu.memory_space<semaphore_mem>>) src(%dma_wait3A_27 : memref<80x128xi32, #tpu.memory_space<hbm>>) dst(%arg7 : memref<80x128xi32, #tpu.memory_space<vmem>>)
      tpu.yield
    }) : () -> ()
    "tpu.region"() ({
      %run_scoped3A = tpu.sem_alloc : memref<!tpu.dma_semaphore, #tpu.memory_space<semaphore_mem>>
      %dma_start3A = arith.constant 0 : i32
      %dma_start3A_14 = arith.constant 0 : i32
      %dma_start3A_15 = tpu.memref_slice %arg4[%add3A, %dma_start3A, %dma_start3A_14] : memref<32x80x128xi32, #tpu.memory_space<hbm>> -> memref<1x80x128xi32, #tpu.memory_space<hbm>>
      %dma_start3A_16 = tpu.memref_squeeze %dma_start3A_15 : memref<1x80x128xi32, #tpu.memory_space<hbm>> -> memref<80x128xi32, #tpu.memory_space<hbm>>
      %dma_start3A_17 = arith.constant 0 : i32
      %dma_start3A_18 = arith.constant 0 : i32
      %dma_start3A_19 = tpu.memref_slice %arg4[%add3A, %dma_start3A_17, %dma_start3A_18] : memref<32x80x128xi32, #tpu.memory_space<hbm>> -> memref<1x80x128xi32, #tpu.memory_space<hbm>>
      %dma_start3A_20 = tpu.memref_squeeze %dma_start3A_19 : memref<1x80x128xi32, #tpu.memory_space<hbm>> -> memref<80x128xi32, #tpu.memory_space<hbm>>
      tpu.enqueue_dma source(%dma_start3A_20 : memref<80x128xi32, #tpu.memory_space<hbm>>) target(%arg8 : memref<80x128xi32, #tpu.memory_space<vmem>>) target_semaphore(%run_scoped3A : memref<!tpu.dma_semaphore, #tpu.memory_space<semaphore_mem>>)
      %dma_wait3A = arith.constant 0 : i32
      %dma_wait3A_21 = arith.constant 0 : i32
      %dma_wait3A_22 = tpu.memref_slice %arg4[%add3A, %dma_wait3A, %dma_wait3A_21] : memref<32x80x128xi32, #tpu.memory_space<hbm>> -> memref<1x80x128xi32, #tpu.memory_space<hbm>>
      %dma_wait3A_23 = tpu.memref_squeeze %dma_wait3A_22 : memref<1x80x128xi32, #tpu.memory_space<hbm>> -> memref<80x128xi32, #tpu.memory_space<hbm>>
      %dma_wait3A_24 = arith.constant 0 : i32
      %dma_wait3A_25 = arith.constant 0 : i32
      %dma_wait3A_26 = tpu.memref_slice %arg4[%add3A, %dma_wait3A_24, %dma_wait3A_25] : memref<32x80x128xi32, #tpu.memory_space<hbm>> -> memref<1x80x128xi32, #tpu.memory_space<hbm>>
      %dma_wait3A_27 = tpu.memref_squeeze %dma_wait3A_26 : memref<1x80x128xi32, #tpu.memory_space<hbm>> -> memref<80x128xi32, #tpu.memory_space<hbm>>
      tpu.wait_dma2 semaphore(%run_scoped3A : memref<!tpu.dma_semaphore, #tpu.memory_space<semaphore_mem>>) src(%dma_wait3A_27 : memref<80x128xi32, #tpu.memory_space<hbm>>) dst(%arg8 : memref<80x128xi32, #tpu.memory_space<vmem>>)
      tpu.yield
    }) : () -> ()
    %barrier3A = arith.constant 0 : index
    tpu.barrier barrier_id(%barrier3A)
    %scan3A = arith.constant 0 : i32
    %scan3A_5 = arith.constant 80 : i32
    %scan3A_6 = arith.addi %scan3A, %scan3A_5 : i32
    %scan3A_7 = arith.constant 1 : i32
    scf.for %scan3A_14 = %scan3A to %scan3A_6 step %scan3A_7  : i32 {
      %mul3A_15 = arith.constant 1 : i32
      %mul3A_16 = arith.muli %scan3A_14, %mul3A_15 : i32
      %add3A_17 = arith.constant 0 : i32
      %add3A_18 = arith.addi %add3A_17, %mul3A_16 : i32
      "tpu.region"() ({
        %run_scoped3A = tpu.sem_alloc : memref<!tpu.dma_semaphore, #tpu.memory_space<semaphore_mem>>
        %dma_start3A = arith.constant 0 : i32
        %dma_start3A_19 = tpu.memref_slice %arg7[%add3A_18, %dma_start3A] : memref<80x128xi32, #tpu.memory_space<vmem>> -> memref<1x128xi32, #tpu.memory_space<vmem>>
        %dma_start3A_20 = tpu.memref_squeeze %dma_start3A_19 : memref<1x128xi32, #tpu.memory_space<vmem>> -> memref<128xi32, #tpu.memory_space<vmem>>
        %dma_start3A_21 = arith.constant 0 : i32
        %dma_start3A_22 = arith.constant 0 : i32
        %dma_start3A_23 = tpu.memref_slice %arg2[%dma_start3A_21, %dma_start3A_22] : memref<10000x128xf32, #tpu.memory_space<hbm>> -> memref<10000x128xf32, #tpu.memory_space<hbm>>
        tpu.enqueue_indirect_dma source(%dma_start3A_23 : memref<10000x128xf32, #tpu.memory_space<hbm>>) target(%arg9 : memref<128x128xf32, #tpu.memory_space<vmem>>) offsets(%dma_start3A_20 : memref<128xi32, #tpu.memory_space<vmem>>) semaphore(%run_scoped3A : memref<!tpu.dma_semaphore, #tpu.memory_space<semaphore_mem>>)
        %dma_wait3A = arith.constant 0 : i32
        %dma_wait3A_24 = tpu.memref_slice %arg7[%add3A_18, %dma_wait3A] : memref<80x128xi32, #tpu.memory_space<vmem>> -> memref<1x128xi32, #tpu.memory_space<vmem>>
        %dma_wait3A_25 = tpu.memref_squeeze %dma_wait3A_24 : memref<1x128xi32, #tpu.memory_space<vmem>> -> memref<128xi32, #tpu.memory_space<vmem>>
        %dma_wait3A_26 = arith.constant 0 : i32
        %dma_wait3A_27 = arith.constant 0 : i32
        %dma_wait3A_28 = tpu.memref_slice %arg2[%dma_wait3A_26, %dma_wait3A_27] : memref<10000x128xf32, #tpu.memory_space<hbm>> -> memref<10000x128xf32, #tpu.memory_space<hbm>>
        tpu.wait_indirect_dma semaphore(%run_scoped3A : memref<!tpu.dma_semaphore, #tpu.memory_space<semaphore_mem>>) src(%dma_wait3A_28 : memref<10000x128xf32, #tpu.memory_space<hbm>>) dst(%arg9 : memref<128x128xf32, #tpu.memory_space<vmem>>)
        tpu.yield
      }) : () -> ()
      "tpu.region"() ({
        %run_scoped3A = tpu.sem_alloc : memref<!tpu.dma_semaphore, #tpu.memory_space<semaphore_mem>>
        %dma_start3A = arith.constant 0 : i32
        %dma_start3A_19 = tpu.memref_slice %arg8[%add3A_18, %dma_start3A] : memref<80x128xi32, #tpu.memory_space<vmem>> -> memref<1x128xi32, #tpu.memory_space<vmem>>
        %dma_start3A_20 = tpu.memref_squeeze %dma_start3A_19 : memref<1x128xi32, #tpu.memory_space<vmem>> -> memref<128xi32, #tpu.memory_space<vmem>>
        %dma_start3A_21 = arith.constant 0 : i32
        %dma_start3A_22 = arith.constant 0 : i32
        %dma_start3A_23 = tpu.memref_slice %arg10[%dma_start3A_21, %dma_start3A_22] : memref<10240x128xf32, #tpu.memory_space<vmem_shared>> -> memref<10240x128xf32, #tpu.memory_space<vmem_shared>>
        tpu.enqueue_indirect_dma source(%arg9 : memref<128x128xf32, #tpu.memory_space<vmem>>) target(%dma_start3A_23 : memref<10240x128xf32, #tpu.memory_space<vmem_shared>>) offsets(%dma_start3A_20 : memref<128xi32, #tpu.memory_space<vmem>>) semaphore(%run_scoped3A : memref<!tpu.dma_semaphore, #tpu.memory_space<semaphore_mem>>) {add = true}
        %dma_wait3A = arith.constant 0 : i32
        %dma_wait3A_24 = tpu.memref_slice %arg8[%add3A_18, %dma_wait3A] : memref<80x128xi32, #tpu.memory_space<vmem>> -> memref<1x128xi32, #tpu.memory_space<vmem>>
        %dma_wait3A_25 = tpu.memref_squeeze %dma_wait3A_24 : memref<1x128xi32, #tpu.memory_space<vmem>> -> memref<128xi32, #tpu.memory_space<vmem>>
        %dma_wait3A_26 = arith.constant 0 : i32
        %dma_wait3A_27 = arith.constant 0 : i32
        %dma_wait3A_28 = tpu.memref_slice %arg10[%dma_wait3A_26, %dma_wait3A_27] : memref<10240x128xf32, #tpu.memory_space<vmem_shared>> -> memref<10240x128xf32, #tpu.memory_space<vmem_shared>>
        tpu.wait_indirect_dma semaphore(%run_scoped3A : memref<!tpu.dma_semaphore, #tpu.memory_space<semaphore_mem>>) src(%arg9 : memref<128x128xf32, #tpu.memory_space<vmem>>) dst(%dma_wait3A_28 : memref<10240x128xf32, #tpu.memory_space<vmem_shared>>)
        tpu.yield
      }) : () -> ()
    }
    %scan3A_8 = arith.constant 80 : i32
    %barrier3A_9 = arith.constant 0 : index
    tpu.barrier barrier_id(%barrier3A_9)
    %mul3A_10 = arith.constant 640 : i32
    %mul3A_11 = arith.muli %arg1, %mul3A_10 : i32
    %mul3A_12 = arith.constant 640 : i32
    %mul3A_13 = arith.muli %arg1, %mul3A_12 : i32
    "tpu.region"() ({
      %run_scoped3A = tpu.sem_alloc : memref<!tpu.dma_semaphore, #tpu.memory_space<semaphore_mem>>
      %dma_start3A = arith.constant 0 : i32
      %dma_start3A_14 = tpu.memref_slice %arg6[%arg0, %mul3A_13, %dma_start3A] : memref<2x10240x128xf32, #tpu.memory_space<hbm>> -> memref<1x640x128xf32, #tpu.memory_space<hbm>>
      %dma_start3A_15 = tpu.memref_squeeze %dma_start3A_14 : memref<1x640x128xf32, #tpu.memory_space<hbm>> -> memref<640x128xf32, #tpu.memory_space<hbm>>
      %dma_start3A_16 = arith.constant 0 : i32
      %dma_start3A_17 = tpu.memref_slice %arg10[%mul3A_11, %dma_start3A_16] : memref<10240x128xf32, #tpu.memory_space<vmem_shared>> -> memref<640x128xf32, #tpu.memory_space<vmem_shared>>
      tpu.enqueue_dma source(%dma_start3A_17 : memref<640x128xf32, #tpu.memory_space<vmem_shared>>) target(%dma_start3A_15 : memref<640x128xf32, #tpu.memory_space<hbm>>) target_semaphore(%run_scoped3A : memref<!tpu.dma_semaphore, #tpu.memory_space<semaphore_mem>>)
      %dma_wait3A = arith.constant 0 : i32
      %dma_wait3A_18 = tpu.memref_slice %arg6[%arg0, %mul3A_13, %dma_wait3A] : memref<2x10240x128xf32, #tpu.memory_space<hbm>> -> memref<1x640x128xf32, #tpu.memory_space<hbm>>
      %dma_wait3A_19 = tpu.memref_squeeze %dma_wait3A_18 : memref<1x640x128xf32, #tpu.memory_space<hbm>> -> memref<640x128xf32, #tpu.memory_space<hbm>>
      %dma_wait3A_20 = arith.constant 0 : i32
      %dma_wait3A_21 = tpu.memref_slice %arg10[%mul3A_11, %dma_wait3A_20] : memref<10240x128xf32, #tpu.memory_space<vmem_shared>> -> memref<640x128xf32, #tpu.memory_space<vmem_shared>>
      tpu.wait_dma2 semaphore(%run_scoped3A : memref<!tpu.dma_semaphore, #tpu.memory_space<semaphore_mem>>) src(%dma_wait3A_21 : memref<640x128xf32, #tpu.memory_space<vmem_shared>>) dst(%dma_wait3A_19 : memref<640x128xf32, #tpu.memory_space<hbm>>)
      tpu.yield
    }) : () -> ()
    return
  }
}

#map = affine_map<(d0, d1) -> (0, 0)>
#map1 = affine_map<(d0, d1) -> (0, 0, 0)>
module attributes {stable_mosaic.version = 14 : i64} {
  func.func @_agg_body(%arg0: i32, %arg1: i32, %arg2: memref<10000x16xf32, #tpu.memory_space<hbm>>, %arg3: memref<32x80x128xi32, #tpu.memory_space<hbm>>, %arg4: memref<32x80x128xi32, #tpu.memory_space<hbm>>, %arg5: memref<10240x16xf32, #tpu.memory_space<hbm>>, %arg6: memref<2x10240x16xf32, #tpu.memory_space<hbm>>, %arg7: memref<80x128xi32, #tpu.memory_space<vmem>>, %arg8: memref<80x128xi32, #tpu.memory_space<vmem>>, %arg9: memref<128x16xf32, #tpu.memory_space<vmem>>, %arg10: memref<10240x16xf32, #tpu.memory_space<vmem_shared>>) attributes {dimension_semantics = [#tpu.dimension_semantics<core_parallel>, #tpu.dimension_semantics<subcore_parallel>], iteration_bounds = array<i64: 2, 16>, scalar_prefetch = 0 : i64, scratch_operands = 4 : i64, tpu.core_type = #tpu.core_type<sc_vector_subcore>, window_params = [{transform_indices = #map}, {transform_indices = #map1}, {transform_indices = #map1}, {transform_indices = #map}, {transform_indices = #map1}]} {
    %mul3A = arith.constant 2 : i32
    %mul3A_0 = arith.muli %arg1, %mul3A : i32
    %add3A = arith.addi %mul3A_0, %arg0 : i32
    %mul3A_1 = arith.constant 640 : i32
    %mul3A_2 = arith.muli %arg1, %mul3A_1 : i32
    %mul3A_3 = arith.constant 640 : i32
    %mul3A_4 = arith.muli %arg1, %mul3A_3 : i32
    "tpu.region"() ({
      %run_scoped3A = tpu.sem_alloc : memref<!tpu.dma_semaphore, #tpu.memory_space<semaphore_mem>>
      %dma_start3A = arith.constant 0 : i32
      %dma_start3A_14 = tpu.memref_slice %arg10[%mul3A_4, %dma_start3A] : memref<10240x16xf32, #tpu.memory_space<vmem_shared>> -> memref<640x16xf32, #tpu.memory_space<vmem_shared>>
      %dma_start3A_15 = arith.constant 0 : i32
      %dma_start3A_16 = tpu.memref_slice %arg5[%mul3A_2, %dma_start3A_15] : memref<10240x16xf32, #tpu.memory_space<hbm>> -> memref<640x16xf32, #tpu.memory_space<hbm>>
      tpu.enqueue_dma source(%dma_start3A_16 : memref<640x16xf32, #tpu.memory_space<hbm>>) target(%dma_start3A_14 : memref<640x16xf32, #tpu.memory_space<vmem_shared>>) target_semaphore(%run_scoped3A : memref<!tpu.dma_semaphore, #tpu.memory_space<semaphore_mem>>)
      %dma_wait3A = arith.constant 0 : i32
      %dma_wait3A_17 = tpu.memref_slice %arg10[%mul3A_4, %dma_wait3A] : memref<10240x16xf32, #tpu.memory_space<vmem_shared>> -> memref<640x16xf32, #tpu.memory_space<vmem_shared>>
      %dma_wait3A_18 = arith.constant 0 : i32
      %dma_wait3A_19 = tpu.memref_slice %arg5[%mul3A_2, %dma_wait3A_18] : memref<10240x16xf32, #tpu.memory_space<hbm>> -> memref<640x16xf32, #tpu.memory_space<hbm>>
      tpu.wait_dma2 semaphore(%run_scoped3A : memref<!tpu.dma_semaphore, #tpu.memory_space<semaphore_mem>>) src(%dma_wait3A_19 : memref<640x16xf32, #tpu.memory_space<hbm>>) dst(%dma_wait3A_17 : memref<640x16xf32, #tpu.memory_space<vmem_shared>>)
      tpu.yield
    }) : () -> ()
    "tpu.region"() ({
      %run_scoped3A = tpu.sem_alloc : memref<!tpu.dma_semaphore, #tpu.memory_space<semaphore_mem>>
      %dma_start3A = arith.constant 0 : i32
      %dma_start3A_14 = arith.constant 0 : i32
      %dma_start3A_15 = tpu.memref_slice %arg3[%add3A, %dma_start3A, %dma_start3A_14] : memref<32x80x128xi32, #tpu.memory_space<hbm>> -> memref<1x80x128xi32, #tpu.memory_space<hbm>>
      %dma_start3A_16 = tpu.memref_squeeze %dma_start3A_15 : memref<1x80x128xi32, #tpu.memory_space<hbm>> -> memref<80x128xi32, #tpu.memory_space<hbm>>
      %dma_start3A_17 = arith.constant 0 : i32
      %dma_start3A_18 = arith.constant 0 : i32
      %dma_start3A_19 = tpu.memref_slice %arg3[%add3A, %dma_start3A_17, %dma_start3A_18] : memref<32x80x128xi32, #tpu.memory_space<hbm>> -> memref<1x80x128xi32, #tpu.memory_space<hbm>>
      %dma_start3A_20 = tpu.memref_squeeze %dma_start3A_19 : memref<1x80x128xi32, #tpu.memory_space<hbm>> -> memref<80x128xi32, #tpu.memory_space<hbm>>
      tpu.enqueue_dma source(%dma_start3A_20 : memref<80x128xi32, #tpu.memory_space<hbm>>) target(%arg7 : memref<80x128xi32, #tpu.memory_space<vmem>>) target_semaphore(%run_scoped3A : memref<!tpu.dma_semaphore, #tpu.memory_space<semaphore_mem>>)
      %dma_wait3A = arith.constant 0 : i32
      %dma_wait3A_21 = arith.constant 0 : i32
      %dma_wait3A_22 = tpu.memref_slice %arg3[%add3A, %dma_wait3A, %dma_wait3A_21] : memref<32x80x128xi32, #tpu.memory_space<hbm>> -> memref<1x80x128xi32, #tpu.memory_space<hbm>>
      %dma_wait3A_23 = tpu.memref_squeeze %dma_wait3A_22 : memref<1x80x128xi32, #tpu.memory_space<hbm>> -> memref<80x128xi32, #tpu.memory_space<hbm>>
      %dma_wait3A_24 = arith.constant 0 : i32
      %dma_wait3A_25 = arith.constant 0 : i32
      %dma_wait3A_26 = tpu.memref_slice %arg3[%add3A, %dma_wait3A_24, %dma_wait3A_25] : memref<32x80x128xi32, #tpu.memory_space<hbm>> -> memref<1x80x128xi32, #tpu.memory_space<hbm>>
      %dma_wait3A_27 = tpu.memref_squeeze %dma_wait3A_26 : memref<1x80x128xi32, #tpu.memory_space<hbm>> -> memref<80x128xi32, #tpu.memory_space<hbm>>
      tpu.wait_dma2 semaphore(%run_scoped3A : memref<!tpu.dma_semaphore, #tpu.memory_space<semaphore_mem>>) src(%dma_wait3A_27 : memref<80x128xi32, #tpu.memory_space<hbm>>) dst(%arg7 : memref<80x128xi32, #tpu.memory_space<vmem>>)
      tpu.yield
    }) : () -> ()
    "tpu.region"() ({
      %run_scoped3A = tpu.sem_alloc : memref<!tpu.dma_semaphore, #tpu.memory_space<semaphore_mem>>
      %dma_start3A = arith.constant 0 : i32
      %dma_start3A_14 = arith.constant 0 : i32
      %dma_start3A_15 = tpu.memref_slice %arg4[%add3A, %dma_start3A, %dma_start3A_14] : memref<32x80x128xi32, #tpu.memory_space<hbm>> -> memref<1x80x128xi32, #tpu.memory_space<hbm>>
      %dma_start3A_16 = tpu.memref_squeeze %dma_start3A_15 : memref<1x80x128xi32, #tpu.memory_space<hbm>> -> memref<80x128xi32, #tpu.memory_space<hbm>>
      %dma_start3A_17 = arith.constant 0 : i32
      %dma_start3A_18 = arith.constant 0 : i32
      %dma_start3A_19 = tpu.memref_slice %arg4[%add3A, %dma_start3A_17, %dma_start3A_18] : memref<32x80x128xi32, #tpu.memory_space<hbm>> -> memref<1x80x128xi32, #tpu.memory_space<hbm>>
      %dma_start3A_20 = tpu.memref_squeeze %dma_start3A_19 : memref<1x80x128xi32, #tpu.memory_space<hbm>> -> memref<80x128xi32, #tpu.memory_space<hbm>>
      tpu.enqueue_dma source(%dma_start3A_20 : memref<80x128xi32, #tpu.memory_space<hbm>>) target(%arg8 : memref<80x128xi32, #tpu.memory_space<vmem>>) target_semaphore(%run_scoped3A : memref<!tpu.dma_semaphore, #tpu.memory_space<semaphore_mem>>)
      %dma_wait3A = arith.constant 0 : i32
      %dma_wait3A_21 = arith.constant 0 : i32
      %dma_wait3A_22 = tpu.memref_slice %arg4[%add3A, %dma_wait3A, %dma_wait3A_21] : memref<32x80x128xi32, #tpu.memory_space<hbm>> -> memref<1x80x128xi32, #tpu.memory_space<hbm>>
      %dma_wait3A_23 = tpu.memref_squeeze %dma_wait3A_22 : memref<1x80x128xi32, #tpu.memory_space<hbm>> -> memref<80x128xi32, #tpu.memory_space<hbm>>
      %dma_wait3A_24 = arith.constant 0 : i32
      %dma_wait3A_25 = arith.constant 0 : i32
      %dma_wait3A_26 = tpu.memref_slice %arg4[%add3A, %dma_wait3A_24, %dma_wait3A_25] : memref<32x80x128xi32, #tpu.memory_space<hbm>> -> memref<1x80x128xi32, #tpu.memory_space<hbm>>
      %dma_wait3A_27 = tpu.memref_squeeze %dma_wait3A_26 : memref<1x80x128xi32, #tpu.memory_space<hbm>> -> memref<80x128xi32, #tpu.memory_space<hbm>>
      tpu.wait_dma2 semaphore(%run_scoped3A : memref<!tpu.dma_semaphore, #tpu.memory_space<semaphore_mem>>) src(%dma_wait3A_27 : memref<80x128xi32, #tpu.memory_space<hbm>>) dst(%arg8 : memref<80x128xi32, #tpu.memory_space<vmem>>)
      tpu.yield
    }) : () -> ()
    %barrier3A = arith.constant 0 : index
    tpu.barrier barrier_id(%barrier3A)
    %scan3A = arith.constant 0 : i32
    %scan3A_5 = arith.constant 80 : i32
    %scan3A_6 = arith.addi %scan3A, %scan3A_5 : i32
    %scan3A_7 = arith.constant 1 : i32
    scf.for %scan3A_14 = %scan3A to %scan3A_6 step %scan3A_7  : i32 {
      %mul3A_15 = arith.constant 1 : i32
      %mul3A_16 = arith.muli %scan3A_14, %mul3A_15 : i32
      %add3A_17 = arith.constant 0 : i32
      %add3A_18 = arith.addi %add3A_17, %mul3A_16 : i32
      "tpu.region"() ({
        %run_scoped3A = tpu.sem_alloc : memref<!tpu.dma_semaphore, #tpu.memory_space<semaphore_mem>>
        %dma_start3A = arith.constant 0 : i32
        %dma_start3A_19 = tpu.memref_slice %arg7[%add3A_18, %dma_start3A] : memref<80x128xi32, #tpu.memory_space<vmem>> -> memref<1x128xi32, #tpu.memory_space<vmem>>
        %dma_start3A_20 = tpu.memref_squeeze %dma_start3A_19 : memref<1x128xi32, #tpu.memory_space<vmem>> -> memref<128xi32, #tpu.memory_space<vmem>>
        %dma_start3A_21 = arith.constant 0 : i32
        %dma_start3A_22 = arith.constant 0 : i32
        %dma_start3A_23 = tpu.memref_slice %arg2[%dma_start3A_21, %dma_start3A_22] : memref<10000x16xf32, #tpu.memory_space<hbm>> -> memref<10000x16xf32, #tpu.memory_space<hbm>>
        tpu.enqueue_indirect_dma source(%dma_start3A_23 : memref<10000x16xf32, #tpu.memory_space<hbm>>) target(%arg9 : memref<128x16xf32, #tpu.memory_space<vmem>>) offsets(%dma_start3A_20 : memref<128xi32, #tpu.memory_space<vmem>>) semaphore(%run_scoped3A : memref<!tpu.dma_semaphore, #tpu.memory_space<semaphore_mem>>)
        %dma_wait3A = arith.constant 0 : i32
        %dma_wait3A_24 = tpu.memref_slice %arg7[%add3A_18, %dma_wait3A] : memref<80x128xi32, #tpu.memory_space<vmem>> -> memref<1x128xi32, #tpu.memory_space<vmem>>
        %dma_wait3A_25 = tpu.memref_squeeze %dma_wait3A_24 : memref<1x128xi32, #tpu.memory_space<vmem>> -> memref<128xi32, #tpu.memory_space<vmem>>
        %dma_wait3A_26 = arith.constant 0 : i32
        %dma_wait3A_27 = arith.constant 0 : i32
        %dma_wait3A_28 = tpu.memref_slice %arg2[%dma_wait3A_26, %dma_wait3A_27] : memref<10000x16xf32, #tpu.memory_space<hbm>> -> memref<10000x16xf32, #tpu.memory_space<hbm>>
        tpu.wait_indirect_dma semaphore(%run_scoped3A : memref<!tpu.dma_semaphore, #tpu.memory_space<semaphore_mem>>) src(%dma_wait3A_28 : memref<10000x16xf32, #tpu.memory_space<hbm>>) dst(%arg9 : memref<128x16xf32, #tpu.memory_space<vmem>>)
        tpu.yield
      }) : () -> ()
      "tpu.region"() ({
        %run_scoped3A = tpu.sem_alloc : memref<!tpu.dma_semaphore, #tpu.memory_space<semaphore_mem>>
        %dma_start3A = arith.constant 0 : i32
        %dma_start3A_19 = tpu.memref_slice %arg8[%add3A_18, %dma_start3A] : memref<80x128xi32, #tpu.memory_space<vmem>> -> memref<1x128xi32, #tpu.memory_space<vmem>>
        %dma_start3A_20 = tpu.memref_squeeze %dma_start3A_19 : memref<1x128xi32, #tpu.memory_space<vmem>> -> memref<128xi32, #tpu.memory_space<vmem>>
        %dma_start3A_21 = arith.constant 0 : i32
        %dma_start3A_22 = arith.constant 0 : i32
        %dma_start3A_23 = tpu.memref_slice %arg10[%dma_start3A_21, %dma_start3A_22] : memref<10240x16xf32, #tpu.memory_space<vmem_shared>> -> memref<10240x16xf32, #tpu.memory_space<vmem_shared>>
        tpu.enqueue_indirect_dma source(%arg9 : memref<128x16xf32, #tpu.memory_space<vmem>>) target(%dma_start3A_23 : memref<10240x16xf32, #tpu.memory_space<vmem_shared>>) offsets(%dma_start3A_20 : memref<128xi32, #tpu.memory_space<vmem>>) semaphore(%run_scoped3A : memref<!tpu.dma_semaphore, #tpu.memory_space<semaphore_mem>>) {add = true}
        %dma_wait3A = arith.constant 0 : i32
        %dma_wait3A_24 = tpu.memref_slice %arg8[%add3A_18, %dma_wait3A] : memref<80x128xi32, #tpu.memory_space<vmem>> -> memref<1x128xi32, #tpu.memory_space<vmem>>
        %dma_wait3A_25 = tpu.memref_squeeze %dma_wait3A_24 : memref<1x128xi32, #tpu.memory_space<vmem>> -> memref<128xi32, #tpu.memory_space<vmem>>
        %dma_wait3A_26 = arith.constant 0 : i32
        %dma_wait3A_27 = arith.constant 0 : i32
        %dma_wait3A_28 = tpu.memref_slice %arg10[%dma_wait3A_26, %dma_wait3A_27] : memref<10240x16xf32, #tpu.memory_space<vmem_shared>> -> memref<10240x16xf32, #tpu.memory_space<vmem_shared>>
        tpu.wait_indirect_dma semaphore(%run_scoped3A : memref<!tpu.dma_semaphore, #tpu.memory_space<semaphore_mem>>) src(%arg9 : memref<128x16xf32, #tpu.memory_space<vmem>>) dst(%dma_wait3A_28 : memref<10240x16xf32, #tpu.memory_space<vmem_shared>>)
        tpu.yield
      }) : () -> ()
    }
    %scan3A_8 = arith.constant 80 : i32
    %barrier3A_9 = arith.constant 0 : index
    tpu.barrier barrier_id(%barrier3A_9)
    %mul3A_10 = arith.constant 640 : i32
    %mul3A_11 = arith.muli %arg1, %mul3A_10 : i32
    %mul3A_12 = arith.constant 640 : i32
    %mul3A_13 = arith.muli %arg1, %mul3A_12 : i32
    "tpu.region"() ({
      %run_scoped3A = tpu.sem_alloc : memref<!tpu.dma_semaphore, #tpu.memory_space<semaphore_mem>>
      %dma_start3A = arith.constant 0 : i32
      %dma_start3A_14 = tpu.memref_slice %arg6[%arg0, %mul3A_13, %dma_start3A] : memref<2x10240x16xf32, #tpu.memory_space<hbm>> -> memref<1x640x16xf32, #tpu.memory_space<hbm>>
      %dma_start3A_15 = tpu.memref_squeeze %dma_start3A_14 : memref<1x640x16xf32, #tpu.memory_space<hbm>> -> memref<640x16xf32, #tpu.memory_space<hbm>>
      %dma_start3A_16 = arith.constant 0 : i32
      %dma_start3A_17 = tpu.memref_slice %arg10[%mul3A_11, %dma_start3A_16] : memref<10240x16xf32, #tpu.memory_space<vmem_shared>> -> memref<640x16xf32, #tpu.memory_space<vmem_shared>>
      tpu.enqueue_dma source(%dma_start3A_17 : memref<640x16xf32, #tpu.memory_space<vmem_shared>>) target(%dma_start3A_15 : memref<640x16xf32, #tpu.memory_space<hbm>>) target_semaphore(%run_scoped3A : memref<!tpu.dma_semaphore, #tpu.memory_space<semaphore_mem>>)
      %dma_wait3A = arith.constant 0 : i32
      %dma_wait3A_18 = tpu.memref_slice %arg6[%arg0, %mul3A_13, %dma_wait3A] : memref<2x10240x16xf32, #tpu.memory_space<hbm>> -> memref<1x640x16xf32, #tpu.memory_space<hbm>>
      %dma_wait3A_19 = tpu.memref_squeeze %dma_wait3A_18 : memref<1x640x16xf32, #tpu.memory_space<hbm>> -> memref<640x16xf32, #tpu.memory_space<hbm>>
      %dma_wait3A_20 = arith.constant 0 : i32
      %dma_wait3A_21 = tpu.memref_slice %arg10[%mul3A_11, %dma_wait3A_20] : memref<10240x16xf32, #tpu.memory_space<vmem_shared>> -> memref<640x16xf32, #tpu.memory_space<vmem_shared>>
      tpu.wait_dma2 semaphore(%run_scoped3A : memref<!tpu.dma_semaphore, #tpu.memory_space<semaphore_mem>>) src(%dma_wait3A_21 : memref<640x16xf32, #tpu.memory_space<vmem_shared>>) dst(%dma_wait3A_19 : memref<640x16xf32, #tpu.memory_space<hbm>>)
      tpu.yield
    }) : () -> ()
    return
  }
}

module attributes {stable_mosaic.version = 14 : i64} {
  func.func @_mm_body(%arg0: memref<10000x128xf32, #tpu.memory_space<vmem>>, %arg1: memref<128x128xf32, #tpu.memory_space<vmem>>, %arg2: memref<10000x128xf32, #tpu.memory_space<vmem>>) attributes {dimension_semantics = [], scalar_prefetch = 0 : i64, scratch_operands = 0 : i64, tpu.core_type = #tpu.core_type<tc>} {
    %get3A = arith.constant 0 : index
    %get3A_0 = arith.constant 0 : index
    %get3A_1 = vector.load %arg0[%get3A, %get3A_0] : memref<10000x128xf32, #tpu.memory_space<vmem>>, vector<10000x128xf32>
    %get3A_2 = arith.constant 0 : index
    %get3A_3 = arith.constant 0 : index
    %get3A_4 = vector.load %arg1[%get3A_2, %get3A_3] : memref<128x128xf32, #tpu.memory_space<vmem>>, vector<128x128xf32>
    %dot_general3A = arith.constant dense<0.000000e+00> : vector<10000x128xf32>
    %dot_general3A_5 = tpu.matmul %get3A_1, %get3A_4, %dot_general3A {dimension_numbers = #tpu.dot_dimension_numbers<[1], [0], [0], [1], [0, 0, 1, 1], [], []>, transpose_lhs_hint = false} : vector<10000x128xf32>, vector<128x128xf32>, vector<10000x128xf32> -> vector<10000x128xf32>
    %swap3A = arith.constant 0 : index
    %swap3A_6 = arith.constant 0 : index
    %swap3A_7 = vector.load %arg2[%swap3A, %swap3A_6] : memref<10000x128xf32, #tpu.memory_space<vmem>>, vector<10000x128xf32>
    tpu.vector_store %arg2[%swap3A, %swap3A_6], %dot_general3A_5 {strides = array<i32>} : memref<10000x128xf32, #tpu.memory_space<vmem>>, vector<10000x128xf32>,
    return
  }
}

module attributes {stable_mosaic.version = 14 : i64} {
  func.func @_norm_body(%arg0: memref<2x10240x16xf32, #tpu.memory_space<vmem>>, %arg1: memref<10000x128xf32, #tpu.memory_space<vmem>>, %arg2: memref<10000x1xf32, #tpu.memory_space<vmem>>, %arg3: memref<10000x128xf32, #tpu.memory_space<vmem>>) attributes {dimension_semantics = [], scalar_prefetch = 0 : i64, scratch_operands = 0 : i64, tpu.core_type = #tpu.core_type<tc>} {
    %get3A = arith.constant 0 : index
    %get3A_0 = arith.constant 0 : index
    %get3A_1 = arith.constant 0 : index
    %get3A_2 = vector.load %arg0[%get3A, %get3A_0, %get3A_1] : memref<2x10240x16xf32, #tpu.memory_space<vmem>>, vector<1x10240x16xf32>
    %get3A_3 = vector.shape_cast %get3A_2 : vector<1x10240x16xf32> to vector<10240x16xf32>
    %slice3A = vector.extract_strided_slice %get3A_3 {offsets = [0, 0], sizes = [10000, 1], strides = [1, 1]} : vector<10240x16xf32> to vector<10000x1xf32>
    %get3A_4 = arith.constant 1 : index
    %get3A_5 = arith.constant 0 : index
    %get3A_6 = arith.constant 0 : index
    %get3A_7 = vector.load %arg0[%get3A_4, %get3A_5, %get3A_6] : memref<2x10240x16xf32, #tpu.memory_space<vmem>>, vector<1x10240x16xf32>
    %get3A_8 = vector.shape_cast %get3A_7 : vector<1x10240x16xf32> to vector<10240x16xf32>
    %slice3A_9 = vector.extract_strided_slice %get3A_8 {offsets = [0, 0], sizes = [10000, 1], strides = [1, 1]} : vector<10240x16xf32> to vector<10000x1xf32>
    %add3A = arith.addf %slice3A, %slice3A_9 : vector<10000x1xf32>
    %add3A_10 = arith.constant 1.000000e+00 : f32
    %add3A_11 = vector.broadcast %add3A_10 : f32 to vector<10000x1xf32>
    %add3A_12 = arith.addf %add3A, %add3A_11 : vector<10000x1xf32>
    %max3A = arith.constant 1.000000e+00 : f32
    %max3A_13 = vector.broadcast %max3A : f32 to vector<10000x1xf32>
    %max3A_14 = arith.maximumf %add3A_12, %max3A_13 : vector<10000x1xf32>
    %rsqrt3A = math.rsqrt %max3A_14 : vector<10000x1xf32>
    %swap3A = arith.constant 0 : index
    %swap3A_15 = arith.constant 0 : index
    %swap3A_16 = vector.load %arg2[%swap3A, %swap3A_15] : memref<10000x1xf32, #tpu.memory_space<vmem>>, vector<10000x1xf32>
    tpu.vector_store %arg2[%swap3A, %swap3A_15], %rsqrt3A {strides = array<i32>} : memref<10000x1xf32, #tpu.memory_space<vmem>>, vector<10000x1xf32>,
    %get3A_17 = arith.constant 0 : index
    %get3A_18 = arith.constant 0 : index
    %get3A_19 = vector.load %arg1[%get3A_17, %get3A_18] : memref<10000x128xf32, #tpu.memory_space<vmem>>, vector<10000x128xf32>
    %mul3A = vector.broadcast %rsqrt3A : vector<10000x1xf32> to vector<10000x128xf32>
    %mul3A_20 = arith.mulf %get3A_19, %mul3A : vector<10000x128xf32>
    %swap3A_21 = arith.constant 0 : index
    %swap3A_22 = arith.constant 0 : index
    %swap3A_23 = vector.load %arg3[%swap3A_21, %swap3A_22] : memref<10000x128xf32, #tpu.memory_space<vmem>>, vector<10000x128xf32>
    tpu.vector_store %arg3[%swap3A_21, %swap3A_22], %mul3A_20 {strides = array<i32>} : memref<10000x128xf32, #tpu.memory_space<vmem>>, vector<10000x128xf32>,
    return
  }
}

module attributes {stable_mosaic.version = 14 : i64} {
  func.func @_mid_body(%arg0: memref<2x10240x128xf32, #tpu.memory_space<vmem>>, %arg1: memref<10000x128xf32, #tpu.memory_space<vmem>>, %arg2: memref<10000x1xf32, #tpu.memory_space<vmem>>, %arg3: memref<1x128xf32, #tpu.memory_space<vmem>>, %arg4: memref<128x16xf32, #tpu.memory_space<vmem>>, %arg5: memref<10000x16xf32, #tpu.memory_space<vmem>>) attributes {dimension_semantics = [], scalar_prefetch = 0 : i64, scratch_operands = 0 : i64, tpu.core_type = #tpu.core_type<tc>} {
    %get3A = arith.constant 0 : index
    %get3A_0 = arith.constant 0 : index
    %get3A_1 = vector.load %arg2[%get3A, %get3A_0] : memref<10000x1xf32, #tpu.memory_space<vmem>>, vector<10000x1xf32>
    %get3A_2 = arith.constant 0 : index
    %get3A_3 = arith.constant 0 : index
    %get3A_4 = arith.constant 0 : index
    %get3A_5 = vector.load %arg0[%get3A_2, %get3A_3, %get3A_4] : memref<2x10240x128xf32, #tpu.memory_space<vmem>>, vector<1x10240x128xf32>
    %get3A_6 = vector.shape_cast %get3A_5 : vector<1x10240x128xf32> to vector<10240x128xf32>
    %slice3A = vector.extract_strided_slice %get3A_6 {offsets = [0, 0], sizes = [10000, 128], strides = [1, 1]} : vector<10240x128xf32> to vector<10000x128xf32>
    %get3A_7 = arith.constant 1 : index
    %get3A_8 = arith.constant 0 : index
    %get3A_9 = arith.constant 0 : index
    %get3A_10 = vector.load %arg0[%get3A_7, %get3A_8, %get3A_9] : memref<2x10240x128xf32, #tpu.memory_space<vmem>>, vector<1x10240x128xf32>
    %get3A_11 = vector.shape_cast %get3A_10 : vector<1x10240x128xf32> to vector<10240x128xf32>
    %slice3A_12 = vector.extract_strided_slice %get3A_11 {offsets = [0, 0], sizes = [10000, 128], strides = [1, 1]} : vector<10240x128xf32> to vector<10000x128xf32>
    %add3A = arith.addf %slice3A, %slice3A_12 : vector<10000x128xf32>
    %get3A_13 = arith.constant 0 : index
    %get3A_14 = arith.constant 0 : index
    %get3A_15 = vector.load %arg1[%get3A_13, %get3A_14] : memref<10000x128xf32, #tpu.memory_space<vmem>>, vector<10000x128xf32>
    %add3A_16 = arith.addf %add3A, %get3A_15 : vector<10000x128xf32>
    %mul3A = vector.broadcast %get3A_1 : vector<10000x1xf32> to vector<10000x128xf32>
    %mul3A_17 = arith.mulf %add3A_16, %mul3A : vector<10000x128xf32>
    %get3A_18 = arith.constant 0 : index
    %get3A_19 = arith.constant 0 : index
    %get3A_20 = vector.load %arg3[%get3A_18, %get3A_19] : memref<1x128xf32, #tpu.memory_space<vmem>>, vector<1x128xf32>
    %add3A_21 = vector.broadcast %get3A_20 : vector<1x128xf32> to vector<10000x128xf32>
    %add3A_22 = arith.addf %mul3A_17, %add3A_21 : vector<10000x128xf32>
    %max3A = arith.constant 0.000000e+00 : f32
    %max3A_23 = vector.broadcast %max3A : f32 to vector<10000x128xf32>
    %max3A_24 = arith.maximumf %add3A_22, %max3A_23 : vector<10000x128xf32>
    %mul3A_25 = vector.broadcast %get3A_1 : vector<10000x1xf32> to vector<10000x128xf32>
    %mul3A_26 = arith.mulf %max3A_24, %mul3A_25 : vector<10000x128xf32>
    %get3A_27 = arith.constant 0 : index
    %get3A_28 = arith.constant 0 : index
    %get3A_29 = vector.load %arg4[%get3A_27, %get3A_28] : memref<128x16xf32, #tpu.memory_space<vmem>>, vector<128x16xf32>
    %dot_general3A = arith.constant dense<0.000000e+00> : vector<10000x16xf32>
    %dot_general3A_30 = tpu.matmul %mul3A_26, %get3A_29, %dot_general3A {dimension_numbers = #tpu.dot_dimension_numbers<[1], [0], [0], [1], [0, 0, 1, 1], [], []>, transpose_lhs_hint = false} : vector<10000x128xf32>, vector<128x16xf32>, vector<10000x16xf32> -> vector<10000x16xf32>
    %swap3A = arith.constant 0 : index
    %swap3A_31 = arith.constant 0 : index
    %swap3A_32 = vector.load %arg5[%swap3A, %swap3A_31] : memref<10000x16xf32, #tpu.memory_space<vmem>>, vector<10000x16xf32>
    tpu.vector_store %arg5[%swap3A, %swap3A_31], %dot_general3A_30 {strides = array<i32>} : memref<10000x16xf32, #tpu.memory_space<vmem>>, vector<10000x16xf32>,
    return
  }
}

module attributes {stable_mosaic.version = 14 : i64} {
  func.func @_fin_body(%arg0: memref<2x10240x16xf32, #tpu.memory_space<vmem>>, %arg1: memref<10000x16xf32, #tpu.memory_space<vmem>>, %arg2: memref<10000x1xf32, #tpu.memory_space<vmem>>, %arg3: memref<1x16xf32, #tpu.memory_space<vmem>>, %arg4: memref<10000x16xf32, #tpu.memory_space<vmem>>) attributes {dimension_semantics = [], scalar_prefetch = 0 : i64, scratch_operands = 0 : i64, tpu.core_type = #tpu.core_type<tc>} {
    %get3A = arith.constant 0 : index
    %get3A_0 = arith.constant 0 : index
    %get3A_1 = arith.constant 0 : index
    %get3A_2 = vector.load %arg0[%get3A, %get3A_0, %get3A_1] : memref<2x10240x16xf32, #tpu.memory_space<vmem>>, vector<1x10240x16xf32>
    %get3A_3 = vector.shape_cast %get3A_2 : vector<1x10240x16xf32> to vector<10240x16xf32>
    %slice3A = vector.extract_strided_slice %get3A_3 {offsets = [0, 0], sizes = [10000, 16], strides = [1, 1]} : vector<10240x16xf32> to vector<10000x16xf32>
    %get3A_4 = arith.constant 1 : index
    %get3A_5 = arith.constant 0 : index
    %get3A_6 = arith.constant 0 : index
    %get3A_7 = vector.load %arg0[%get3A_4, %get3A_5, %get3A_6] : memref<2x10240x16xf32, #tpu.memory_space<vmem>>, vector<1x10240x16xf32>
    %get3A_8 = vector.shape_cast %get3A_7 : vector<1x10240x16xf32> to vector<10240x16xf32>
    %slice3A_9 = vector.extract_strided_slice %get3A_8 {offsets = [0, 0], sizes = [10000, 16], strides = [1, 1]} : vector<10240x16xf32> to vector<10000x16xf32>
    %add3A = arith.addf %slice3A, %slice3A_9 : vector<10000x16xf32>
    %get3A_10 = arith.constant 0 : index
    %get3A_11 = arith.constant 0 : index
    %get3A_12 = vector.load %arg1[%get3A_10, %get3A_11] : memref<10000x16xf32, #tpu.memory_space<vmem>>, vector<10000x16xf32>
    %add3A_13 = arith.addf %add3A, %get3A_12 : vector<10000x16xf32>
    %get3A_14 = arith.constant 0 : index
    %get3A_15 = arith.constant 0 : index
    %get3A_16 = vector.load %arg2[%get3A_14, %get3A_15] : memref<10000x1xf32, #tpu.memory_space<vmem>>, vector<10000x1xf32>
    %mul3A = vector.broadcast %get3A_16 : vector<10000x1xf32> to vector<10000x16xf32>
    %mul3A_17 = arith.mulf %add3A_13, %mul3A : vector<10000x16xf32>
    %get3A_18 = arith.constant 0 : index
    %get3A_19 = arith.constant 0 : index
    %get3A_20 = vector.load %arg3[%get3A_18, %get3A_19] : memref<1x16xf32, #tpu.memory_space<vmem>>, vector<1x16xf32>
    %add3A_21 = vector.broadcast %get3A_20 : vector<1x16xf32> to vector<10000x16xf32>
    %add3A_22 = arith.addf %mul3A_17, %add3A_21 : vector<10000x16xf32>
    %swap3A = arith.constant 0 : index
    %swap3A_23 = arith.constant 0 : index
    %swap3A_24 = vector.load %arg4[%swap3A, %swap3A_23] : memref<10000x16xf32, #tpu.memory_space<vmem>>, vector<10000x16xf32>
    tpu.vector_store %arg4[%swap3A, %swap3A_23], %add3A_22 {strides = array<i32>} : memref<10000x16xf32, #tpu.memory_space<vmem>>, vector<10000x16xf32>,
    return
  }
}

</mosaic_0001>

<sc_bundles>
// kernel: kernel.12.cloned.1.call-start
scs
__scs_entry_jumppad:
0x0: {  	(pc) =	sbr.rel $0x88, $3  }
0x1: {  	(tag) =	ssettag $0x0;
	lr =	simm.s32 $0x1  }
0x2: {  	[smem:$0x3F9B] =	sst lr;
	_ =	strace $0xD0000000  }
0x3: {  	_ = 	snop  }
0x4: {  	_ = 	snop  }
0x5: {  	_ = 	snop  }
0x6: {  	_ = 	snop  }
0x7: {  	_ = 	snop  }
__scs_overlays_trampoline_lowered:
0x8: {  	[smem:$0x3FAA] =	sst s0  }
0x9: {  	[smem:$0x3FAB] =	sst s1  }
0xa: {  	[smem:$0x3FAC] =	sst s2  }
0xb: {  	[smem:$0x3FAD] =	sst s3  }
0xc: {  	[smem:$0x3FAE] =	sst s4  }
0xd: {  	[smem:$0x3FAF] =	sst s5  }
0xe: {  	[smem:$0x3FB0] =	sst s6  }
0xf: {  	[smem:$0x3FB1] =	sst s7  }
0x10: {  	[smem:$0x3FB2] =	sst s8  }
0x11: {  	[smem:$0x3FB3] =	sst s9;
	s0 =	simm.s32 @!p0 $0x0  }
0x12: {  	s1 =	sld [smem:$0x3F99];
	s0 =	simm.s32 @p0 $0x1  }
0x13: {  	[smem:$0x3FB4] =	sst s0;
	s0 =	simm.s32 @!p1 $0x0  }
0x14: {  	s2 =	sld [smem:$0x3F98];
	s0 =	simm.s32 @p1 $0x1  }
0x15: {  	[smem:$0x3FB5] =	sst s0;
	s0 =	simm.s32 @!p2 $0x0  }
0x16: {  	s3 =	sld [smem:$0x3FDB];
	s0 =	simm.s32 @p2 $0x1  }
0x17: {  	s4 =	simm.s32 $0x1BF5;
	[smem:$0x3FB7] =	sst s0  }
0x18: {  	s0 =	sld [smem:$0x3F9A];
	_ =	swait.ge [sflag:s4], $0x0  }
0x19: {  	s7 =	sld [smem:$0x3F9B]  }
0x1a: {  	s8 =	sadd.s32 $0xFFFFE003, lr  }
0x1b: {  	s9 =	sadd.s32 $0xFFFFFEF7, lr;
	s5 =	simm.s32 $0xFFFFFFFF;
	p2 =	slt.u32 s8, $0xFFFFF086  }
0x1c: {  	p1 =	slt.u32 s9, $0xF7A;
	s5 =	simm.s32 @!p2 $0x0  }
0x1d: {  	s5 =	simm.s32 @p1 $0x1;
	p0 =	seq.s32 s7, s2  }
0x1e: {  	s7 =	smul.u32 @!p0 $0xF7A, s2;
	p2 =	seq.s32 @!p0 s5, $0x0  }
0x1f: {  	s9 =	smul.u32 $0xF7A, s1;
	s8 =	simm.s32 @!p0 $0x1BF5;
	p2 =	por !p2, p0  }
0x20: {  	[sflag:s8] =	ssyncset.s32 @!p0 $0xFFFFF086;
	s6 =	sadd.s32 @!p0 s3, s7;
	s7 =	simm.s32 @!p0 $0x108  }
0x21: {  	s3 =	sadd.s32 s3, s9;
	s6 =	sadd.s32 @!p0 $0x88, s6;
	s7 =	simm.s32 @p2 $0x1082  }
0x22: {  	[simem:s7], [sflag:s8] =	dma.local @!p0 [hbm:s6], $0xF7A  }
0x23: {  	s9 =	sor.u32 $0xD0000000, s2;
	s6 =	simm.s32 $0x108;
	_ =	swait.ge @!p0 [sflag:s8], $0x0  }
0x24: {  	s3 =	sadd.s32 $0x88, s3;
	s6 =	simm.s32 @!p1 $0x1082;
	[sflag:s4] =	ssyncset.s32 $0xFFFFF086  }
0x25: {  	[simem:s6], [sflag:s4] =	dma.local [hbm:s3], $0xF7A  }
0x26: {  	[smem:$0x3F9B] =	sst s1;
	(tag) =	ssettag s2;
	_ =	strace s9  }
0x27: {  	s1 =	sld [smem:$0x3FAB]  }
0x28: {  	s2 =	sld [smem:$0x3FAC]  }
0x29: {  	s4 =	sld [smem:$0x3FAE]  }
0x2a: {  	p0 =	seq.s32 s5, $0x0;
	s5 =	sld [smem:$0x3FAF]  }
0x2b: {  	s6 =	sld [smem:$0x3FB0]  }
0x2c: {  	s7 =	sld [smem:$0x3FB1]  }
0x2d: {  	s3 =	simm.s32 $0x108;
	s8 =	sld [smem:$0x3FB2]  }
0x2e: {  	s3 =	simm.s32 @!p0 $0x1082;
	s9 =	sld [smem:$0x3FB3]  }
0x2f: {  	lr =	sadd.s32 s0, s3;
	s0 =	sld [smem:$0x3FAA]  }
0x30: {  	s3 =	sld [smem:$0x3FAD]  }
0x31: {  	[smem:$0x3FB6] =	sst s10  }
0x32: {  	s10 =	sld [smem:$0x3FB4];
	_ =	sdelay $0x3  }
0x33: {  	p0 =	seq.s32 s10, $0x1;
	s10 =	sld [smem:$0x3FB6];
	_ =	sdelay $0x3  }
0x34: {  	[smem:$0x3FB6] =	sst s10  }
0x35: {  	s10 =	sld [smem:$0x3FB5];
	_ =	sdelay $0x3  }
0x36: {  	p1 =	seq.s32 s10, $0x1;
	s10 =	sld [smem:$0x3FB6];
	_ =	sdelay $0x3  }
0x37: {  	[smem:$0x3FB6] =	sst s10  }
0x38: {  	s10 =	sld [smem:$0x3FB7]  }
0x39: {  	_ = 	snop;
	(pc) =	sbr.ind lr, $3  }
0x3a: {  	_ = 	snop  }
0x3b: {  	_ = 	snop  }
0x3c: {  	p2 =	seq.s32 s10, $0x1;
	s10 =	sld [smem:$0x3FB6]  }
0x3d: {  	_ =	shalt  }
0x3e: {  	_ =	shalt  }
0x3f: {  	_ =	shalt  }
0x40: {  	_ =	shalt  }
0x41: {  	_ =	shalt  }
0x42: {  	_ =	shalt  }
0x43: {  	_ =	shalt  }
0x44: {  	_ =	shalt  }
0x45: {  	_ =	shalt  }
0x46: {  	_ =	shalt  }
0x47: {  	_ =	shalt  }
0x48: {  	_ =	shalt  }
0x49: {  	_ =	shalt  }
0x4a: {  	_ =	shalt  }
0x4b: {  	_ =	shalt  }
0x4c: {  	_ =	shalt  }
0x4d: {  	_ =	shalt  }
0x4e: {  	_ =	shalt  }
0x4f: {  	_ =	shalt  }
0x50: {  	_ =	shalt  }
0x51: {  	_ =	shalt  }
0x52: {  	_ =	shalt  }
0x53: {  	_ =	shalt  }
0x54: {  	_ =	shalt  }
0x55: {  	_ =	shalt  }
0x56: {  	_ =	shalt  }
0x57: {  	_ =	shalt  }
0x58: {  	_ =	shalt  }
0x59: {  	_ =	shalt  }
0x5a: {  	_ =	shalt  }
0x5b: {  	_ =	shalt  }
0x5c: {  	_ =	shalt  }
0x5d: {  	_ =	shalt  }
0x5e: {  	_ =	shalt  }
0x5f: {  	_ =	shalt  }
0x60: {  	_ =	shalt  }
0x61: {  	_ =	shalt  }
0x62: {  	_ =	shalt  }
0x63: {  	_ =	shalt  }
0x64: {  	_ =	shalt  }
0x65: {  	_ =	shalt  }
0x66: {  	_ =	shalt  }
0x67: {  	_ =	shalt  }
0x68: {  	_ =	shalt  }
0x69: {  	_ =	shalt  }
0x6a: {  	_ =	shalt  }
0x6b: {  	_ =	shalt  }
0x6c: {  	_ =	shalt  }
0x6d: {  	_ =	shalt  }
0x6e: {  	_ =	shalt  }
0x6f: {  	_ =	shalt  }
0x70: {  	_ =	shalt  }
0x71: {  	_ =	shalt  }
0x72: {  	_ =	shalt  }
0x73: {  	_ =	shalt  }
0x74: {  	_ =	shalt  }
0x75: {  	_ =	shalt  }
0x76: {  	_ =	shalt  }
0x77: {  	_ =	shalt  }
0x78: {  	_ =	shalt  }
0x79: {  	_ =	shalt  }
0x7a: {  	_ =	shalt  }
0x7b: {  	_ =	shalt  }
0x7c: {  	_ =	shalt  }
0x7d: {  	_ =	shalt  }
0x7e: {  	_ =	shalt  }
0x7f: {  	_ =	shalt  }
0x80: {  	_ =	shalt  }
0x81: {  	_ =	shalt  }
0x82: {  	_ =	shalt  }
0x83: {  	_ =	shalt  }
0x84: {  	_ =	shalt  }
0x85: {  	_ =	shalt  }
0x86: {  	_ =	shalt  }
0x87: {  	_ =	shalt  }
.Lfunc_end0:
.L_simem_size_0:
called_computation.1_lowered:
.L_overlay_start_0:
0x88: {  	s2 =	sld [smem:$0x3FD9]  }
0x89: {  	s3 =	sld [smem:$0x3FFE];
	_ =	sdelay $0x1  }
0x8a: {  	s1 =	srdreg.scid  }
0x8b: {  	s0 =	sand.u32 $0x1, s1  }
0x8c: {  	s16 =	sshll.u32 s0, $0xA;
	s2 =	sadd.s32 s3, s2  }
0x8d: {  	s2 =	sadd.s32 s2, s16  }
0x8e: {  	[smem:$0x3FC2] =	sst s2  }
0x8f: {  	_ = 	snop  }
0x90: {  	(tm) =	ssettm $0x1  }
0x91: {  	s17 =	sld [smem:$0x3FFB];
	_ =	sdelay $0x3  }
0x92: {  	_ =	strace s17  }
0x93: {  	s2 =	sld [smem:$0x3FFC];
	_ =	sdelay $0x3  }
0x94: {  	_ =	strace s2  }
0x95: {  	s2 =	sld [smem:$0x3FFD];
	_ =	sdelay $0x3  }
0x96: {  	_ =	strace s2  }
0x97: {  	_ =	strace $0x8FFFFFFF  }
0x98: {  	s18 =	sld [smem:$0x3FDB];
	_ =	sdelay $0x1  }
0x99: {  	s19 =	simm.s32 $_scs_section_size  }
0x9a: {  	s4 =	simm.s32 $_size__tile_overlayer_lowered;
	s5 =	simm.s32 $_tile_overlayer_lowered  }
0x9b: {  	s22 =	simm.s32 $0x1BFF;
	s21 =	sshll.u32 s5, $0x1;
	s2 =	sadd.s32 s19, s18  }
0x9c: {  	s6 =	simm.s32 $0x0;
	s20 =	sshll.u32 s4, $0x1;
	s4 =	sadd.s32 s21, s2  }
0x9d: {  	[timem:s6], [sflag:s22] =	dma.local [hbm:s4], s20  }
0x9e: {  	_ =	swait.ge [sflag:s22], s20  }
0x9f: {  	s3 =	ssub.s32 $0x0, s20;
	[sflag:s22] =	ssyncset.done $0x0  }
0xa0: {  	[sflag:s22] =	ssyncadd.s32 s3;
	_ =	sdelay $0x1  }
0xa1: {  	s23 =	simm.s32 $0x1B8B  }
0xa2: {  	_ =	swait.ge [sflag:s23], $0x1  }
0xa3: {  	[sflag:s23] =	ssyncset.done $0x0  }
0xa4: {  	s25 =	simm.s32 $0x1B8E;
	s24 =	sld [smem:$0x3FFE];
	[sflag:s23] =	ssyncadd.s32 $0xFFFFFFFF  }
0xa5: {  	s26 =	simm.s32 $execute0_lowered;
	[smem:$0x3FD2] =	sst s25  }
0xa6: {  	s4 =	sshll.u32 s26, $0x1;
	_ =	strace $0x80000049;
	[dreg:$0x1] =	wrdreg $0xFFFFFFFF  }
0xa7: {  	s28 =	simm.s32 $_size_execute0_lowered;
	s2 =	sadd.s32 s2, s4;
	[dreg:$0x0] =	wrdreg $0x0  }
0xa8: {  	s4 =	sshll.u32 s28, $0x1;
	[dreg:$0x2] =	wrdreg s2  }
0xa9: {  	[dreg:$0x3] =	wrdreg s4  }
0xaa: {  	[dreg:$0x4] =	wrdreg $0xC0  }
0xab: {  	_ =	task [dreg:s6], $0x5FFFF  }
0xac: {  	[dreg:$0x1] =	wrdreg $0xFFFFFFFF  }
0xad: {  	[dreg:$0x0] =	wrdreg $0x60  }
0xae: {  	[dreg:$0x2] =	wrdreg s24  }
0xaf: {  	[dreg:$0x3] =	wrdreg $0x90000  }
0xb0: {  	[dreg:$0x4] =	wrdreg $0x9  }
0xb1: {  	_ =	task.clear_ibuf [dreg:s6], $0x5FFFF;
	_ =	strace $0x90000049  }
0xb2: {  	s29 =	simm.s32 $0x9;
	_ =	strace $0x8000004B  }
0xb3: {  	_ =	swait.ge [sflag:s29], $0x1  }
0xb4: {  	[sflag:s29] =	ssyncadd.s32 $0xFFFFFFFF  }
0xb5: {  	_ =	strace $0x9000004B  }
0xb6: {  	_ =	sfence  }
0xb7: {  	s30 =	sld [smem:$0x0];
	_ =	sdelay $0x2  }
0xb8: {  	s31 =	sshll.u32 s1, $0xD;
	s1 =	sshrl.u32 s1, $0x2  }
0xb9: {  	s3 =	sand.u32 $0x4000, s31;
	s1 =	sadd.s32 s1, s30  }
0xba: {  	s0 =	sor.u32 s3, s0;
	s1 =	sshll.u32 s1, $0x11  }
0xbb: {  	s0 =	sor.u32 s1, s0  }
0xbc: {  	s0 =	sadd.s32 $0x8F2B, s0  }
0xbd: {  	[sflag:s0] =	ssyncadd.remote.s32 $0x1  }
0xbe: {  	_ =	sfence.sel $0xFFFF  }
0xbf: {  	[dreg:$0x0] =	wrdreg $0xFFFFFFFF;
	(pc) =	sbr.abs _section_cstart, $3  }
0xc0: {  	[dreg:$0x1] =	wrdreg $0xFFFFFFFF  }
0xc1: {  	_ =	task.clear_ibuf [dreg:s6], $0x2FFFF;
	_ =	strace $0x9FFFFFFF  }
0xc2: {  	(tm) =	ssettm $0x7FFFFFFF  }
0xc3: {  	_ =	shalt  }
tec
execute0_lowered:
.L_overlay_start_1:
0x0: {  	(tag) =	ssettag $0x1  }
0x1: {  	s1 =	srdreg.scid;
	s6 =	rddreg [dreg:$0x0]  }
0x2: {  	s0 =	stileid.u32;
	s2 =	rddreg [dreg:$0x1];
	s3 =	simm.s32 $0x0  }
0x3: {  	s14 =	simm.s32 $0x80;
	s15 =	simm.s32 $0x5000;
	s16 =	simm.s32 $0x0  }
0x4: {  	s5 =	sand.u32 $0x1, s1;
	s26 =	sshll.u32 s0, $0x1;
	s8 =	smul.u32 $0x14000, s0  }
0x5: {  	[smem:$0x7FF] =	sst s3;
	s4 =	sadd.s32 $0x25000, s6;
	s31 =	sshll.u32 s0, $0x6  }
0x6: {  	s1 =	sor.u32 s5, s26;
	s9 =	smul.u32 $0x140000, s5;
	s5 =	ssub.s32 $0x2, s5  }
0x7: {  	s7 =	smul.u32 $0x500, s1;
	s1 =	rddreg [dreg:$0x2];
	_ =	strace $0x8000004A  }
0x8: {  	s29 =	sshrl.u32 s8, $0x3;
	s30 =	sshrl.u32 s5, $0x1;
	s13 =	sadd.s32 s8, s2  }
0x9: {  	s28 =	sadd.s32 s8, s9;
	s9 =	sadd.s32 s29, s6;
	s12 =	ssub.s32 s5, s30  }
0xa: {  	s10 =	sadd.s32 s7, s6;
	s7 =	sshrl.u32 s28, $0x3;
	s5 =	sadd.s32 $0x4C200, s9  }
0xb: {  	s11 =	sadd.s32 s7, s6;
	s6 =	sor.u32 $0x1C01, s31;
	s7 =	sadd.s32 $0x1B000, s10  }
0xc: {  	s8 =	sadd.s32 $0x2000, s10;
	s10 =	smax.u32 s12, $0x1;
	s12 =	simm.s32 $0x1  }
0xd: {  	s9 =	sadd.s32 $0x74200, s11;
	s11 =	sshrl.u32 s13, $0x3;
	s13 =	simm.s32 $0x2800  }
.LBB2_1:
0xe: {  	[spmem:s11], [sflag:s6] =	dma.local [hbm:s5], $0x2800  }
0xf: {  	_ =	swait.ge [sflag:s12], $0x2800  }
0x10: {  	[sflag:s12] =	ssyncset.done $0x0  }
0x11: {  	[sflag:s12] =	ssyncadd.s32 $0xFFFFD800  }
0x12: {  	[tilespmem:s3], [sflag:$0x1] =	stream.linear.gather [hbm4b:s7+s3], $0x2800, $0x38;
	[tilespmem:$0x1D000] =	vst v63  }
0x13: {  	_ =	swait.ge [sflag:s12], $0x2800  }
0x14: {  	[sflag:s12] =	ssyncset.done $0x0  }
0x15: {  	[sflag:s12] =	ssyncadd.s32 $0xFFFFD800  }
0x16: {  	[tilespmem:s13], [sflag:$0x1] =	stream.linear.gather [hbm4b:s8+s3], $0x2800, $0x38;
	[tilespmem:$0x1D000] =	vst v63  }
0x17: {  	_ =	swait.ge [sflag:s12], $0x2800  }
0x18: {  	[sflag:s12] =	ssyncset.done $0x0  }
0x19: {  	[sflag:s12] =	ssyncadd.s32 $0xFFFFD800  }
0x1a: {  	s17 =	simm.s32 $0x0;
	[bflag:$0x0] =	sbarrier.arrive $0xFFFF  }
0x1b: {  	[tilespmem:s15], [sflag:$0x1] =	stream.indirect.gather [hbm4b:s4+s14], $0x80, s17, s14, $0xb8;
	[tilespmem:$0x1D000] =	vst v63  }
0x1c: {  	_ =	swait.ge [sflag:s12], $0x4000  }
0x1d: {  	[sflag:s12] =	ssyncset.done $0x0  }
0x1e: {  	s31 =	simm.s32 $0x2800;
	[sflag:s12] =	ssyncadd.s32 $0xFFFFC000  }
0x1f: {  	[spmem:s2] =	stream.indirect.scatter.add.f32 [tilespmem:s15], [sflag:$0x1], $0x80, s31, s14, $0xb8;
	[tilespmem:$0x1D000] =	vst v63  }
0x20: {  	_ =	swait.ge [sflag:s12], $0x4000  }
0x21: {  	s18 =	simm.s32 $0x400;
	s17 =	simm.s32 $0x200;
	[sflag:s12] =	ssyncset.done $0x0  }
.LBB2_2:
0x22: {  	s19 =	sshra.s32 s17, $0x2  }
0x23: {  	[sflag:s12] =	ssyncadd.s32 $0xFFFFC000;
	s17 =	smov.u32 s18;
	s20 =	sadd.s32 $0x200, s18  }
0x24: {  	[tilespmem:s15], [sflag:$0x1] =	stream.indirect.gather [hbm4b:s4+s14], $0x80, s19, s14, $0xb8;
	[tilespmem:$0x1D000] =	vst v63  }
0x25: {  	p0 =	sne.s32 s18, $0x9E00;
	_ =	swait.ge [sflag:s12], $0x4000  }
.Ltmp0:
0x26: {  	[sflag:s12] =	ssyncset.done $0x0;
	(pc) =	sbr.rel @p0 .LBB2_2-.Ltmp0, $4  }
0x27: {  	s18 =	sadd.s32 $0x2800, s19;
	[sflag:s12] =	ssyncadd.s32 $0xFFFFC000  }
0x28: {  	[spmem:s2] =	stream.indirect.scatter.add.f32 [tilespmem:s15], [sflag:$0x1], $0x80, s18, s14, $0xb8;
	[tilespmem:$0x1D000] =	vst v63  }
0x29: {  	_ =	swait.ge [sflag:s12], $0x4000  }
0x2a: {  	s18 =	smov.u32 s20;
	[sflag:s12] =	ssyncset.done $0x0  }
0x2b: {  	s17 =	sshra.s32 s17, $0x2;
	[sflag:s12] =	ssyncadd.s32 $0xFFFFC000  }
0x2c: {  	[tilespmem:s15], [sflag:$0x1] =	stream.indirect.gather [hbm4b:s4+s14], $0x80, s17, s14, $0xb8;
	[tilespmem:$0x1D000] =	vst v63  }
0x2d: {  	_ =	swait.ge [sflag:s12], $0x4000  }
0x2e: {  	[sflag:s12] =	ssyncset.done $0x0  }
0x2f: {  	s17 =	sadd.s32 $0x2800, s17;
	[sflag:s12] =	ssyncadd.s32 $0xFFFFC000  }
0x30: {  	[spmem:s2] =	stream.indirect.scatter.add.f32 [tilespmem:s15], [sflag:$0x1], $0x80, s17, s14, $0xb8;
	[tilespmem:$0x1D000] =	vst v63  }
0x31: {  	_ =	swait.ge [sflag:s12], $0x4000  }
0x32: {  	s16 =	sadd.s32 $0x1, s16;
	[sflag:s12] =	ssyncset.done $0x0  }
0x33: {  	p0 =	sne.s32 s16, s10;
	[sflag:s12] =	ssyncadd.s32 $0xFFFFC000  }
.Ltmp1:
0x34: {  	[bflag:$0x0] =	sbarrier.arrive $0xFFFF;
	(pc) =	sbr.rel @p0 .LBB2_1-.Ltmp1, $4  }
0x35: {  	[hbm:s9], [sflag:s6] =	dma.local [spmem:s11], $0x2800  }
0x36: {  	_ =	swait.ge [sflag:s12], $0x2800  }
0x37: {  	[sflag:s12] =	ssyncset.done $0x0  }
0x38: {  	[sflag:s12] =	ssyncadd.s32 $0xFFFFD800  }
0x39: {  	_ =	sfence.sel $0x180000  }
0x3a: {  	[bflag:$0x0] =	sbarrier.arrive $0xFFFF  }
0x3b: {  	p0 =	sne.s32 s0, $0x0;
	_ =	strace $0x9000004A  }
0x3c: {  	s0 =	sadd.s32 @!p0 $0x100000, s1;
	[bflag:$0x2] =	sbarrier.arrive $0xFFFF  }
0x3d: {  	[sflag:s0] =	ssyncadd.tile.s32 @!p0 $0x1;
	_ =	shalt  }
.Lfunc_end2:
_tile_overlayer_lowered:
.L_overlay_start_2:
0x3e: {  	(tag) =	ssettag $0x2  }
0x3f: {  	s0 =	rddreg [dreg:$0x0];
	s2 =	stileid.u32  }
0x40: {  	s1 =	rddreg [dreg:$0x1];
	p0 =	sne.s32 s2, $0x0  }
0x41: {  	s3 =	rddreg [dreg:$0x2];
	[bflag:$0x3] =	sbarrier.arrive $0xFFFF;
	s2 =	simm.s32 @!p0 $0x1C01  }
0x42: {  	[timem:s3], [sflag:s2] =	dma.local @!p0 [hbm:s0], s1  }
0x43: {  	s0 =	simm.s32 @!p0 $0x1  }
0x44: {  	_ =	swait.ge @!p0 [sflag:s0], s1  }
0x45: {  	s1 =	ssub.s32 @!p0 $0x0, s1;
	[sflag:s0] =	ssyncset.done @!p0 $0x0  }
0x46: {  	[sflag:s0] =	ssyncadd.s32 @!p0 s1  }
0x47: {  	[bflag:$0x3] =	sbarrier.arrive $0xFFFF  }
0x48: {  	_ =	shalt  }

// kernel: kernel.15.cloned.1.call-start
scs
__scs_entry_jumppad:
0x0: {  	(pc) =	sbr.rel $0x88, $3  }
0x1: {  	(tag) =	ssettag $0x0;
	lr =	simm.s32 $0x1  }
0x2: {  	[smem:$0x3F9B] =	sst lr;
	_ =	strace $0xD0000000  }
0x3: {  	_ = 	snop  }
0x4: {  	_ = 	snop  }
0x5: {  	_ = 	snop  }
0x6: {  	_ = 	snop  }
0x7: {  	_ = 	snop  }
__scs_overlays_trampoline_lowered:
0x8: {  	[smem:$0x3FAA] =	sst s0  }
0x9: {  	[smem:$0x3FAB] =	sst s1  }
0xa: {  	[smem:$0x3FAC] =	sst s2  }
0xb: {  	[smem:$0x3FAD] =	sst s3  }
0xc: {  	[smem:$0x3FAE] =	sst s4  }
0xd: {  	[smem:$0x3FAF] =	sst s5  }
0xe: {  	[smem:$0x3FB0] =	sst s6  }
0xf: {  	[smem:$0x3FB1] =	sst s7  }
0x10: {  	[smem:$0x3FB2] =	sst s8  }
0x11: {  	[smem:$0x3FB3] =	sst s9;
	s0 =	simm.s32 @!p0 $0x0  }
0x12: {  	s1 =	sld [smem:$0x3F99];
	s0 =	simm.s32 @p0 $0x1  }
0x13: {  	[smem:$0x3FB4] =	sst s0;
	s0 =	simm.s32 @!p1 $0x0  }
0x14: {  	s2 =	sld [smem:$0x3F98];
	s0 =	simm.s32 @p1 $0x1  }
0x15: {  	[smem:$0x3FB5] =	sst s0;
	s0 =	simm.s32 @!p2 $0x0  }
0x16: {  	s3 =	sld [smem:$0x3FDB];
	s0 =	simm.s32 @p2 $0x1  }
0x17: {  	s4 =	simm.s32 $0x1BF5;
	[smem:$0x3FB7] =	sst s0  }
0x18: {  	s0 =	sld [smem:$0x3F9A];
	_ =	swait.ge [sflag:s4], $0x0  }
0x19: {  	s7 =	sld [smem:$0x3F9B]  }
0x1a: {  	s8 =	sadd.s32 $0xFFFFE003, lr  }
0x1b: {  	s9 =	sadd.s32 $0xFFFFFEF7, lr;
	s5 =	simm.s32 $0xFFFFFFFF;
	p2 =	slt.u32 s8, $0xFFFFF086  }
0x1c: {  	p1 =	slt.u32 s9, $0xF7A;
	s5 =	simm.s32 @!p2 $0x0  }
0x1d: {  	s5 =	simm.s32 @p1 $0x1;
	p0 =	seq.s32 s7, s2  }
0x1e: {  	s7 =	smul.u32 @!p0 $0xF7A, s2;
	p2 =	seq.s32 @!p0 s5, $0x0  }
0x1f: {  	s9 =	smul.u32 $0xF7A, s1;
	s8 =	simm.s32 @!p0 $0x1BF5;
	p2 =	por !p2, p0  }
0x20: {  	[sflag:s8] =	ssyncset.s32 @!p0 $0xFFFFF086;
	s6 =	sadd.s32 @!p0 s3, s7;
	s7 =	simm.s32 @!p0 $0x108  }
0x21: {  	s3 =	sadd.s32 s3, s9;
	s6 =	sadd.s32 @!p0 $0x88, s6;
	s7 =	simm.s32 @p2 $0x1082  }
0x22: {  	[simem:s7], [sflag:s8] =	dma.local @!p0 [hbm:s6], $0xF7A  }
0x23: {  	s9 =	sor.u32 $0xD0000000, s2;
	s6 =	simm.s32 $0x108;
	_ =	swait.ge @!p0 [sflag:s8], $0x0  }
0x24: {  	s3 =	sadd.s32 $0x88, s3;
	s6 =	simm.s32 @!p1 $0x1082;
	[sflag:s4] =	ssyncset.s32 $0xFFFFF086  }
0x25: {  	[simem:s6], [sflag:s4] =	dma.local [hbm:s3], $0xF7A  }
0x26: {  	[smem:$0x3F9B] =	sst s1;
	(tag) =	ssettag s2;
	_ =	strace s9  }
0x27: {  	s1 =	sld [smem:$0x3FAB]  }
0x28: {  	s2 =	sld [smem:$0x3FAC]  }
0x29: {  	s4 =	sld [smem:$0x3FAE]  }
0x2a: {  	p0 =	seq.s32 s5, $0x0;
	s5 =	sld [smem:$0x3FAF]  }
0x2b: {  	s6 =	sld [smem:$0x3FB0]  }
0x2c: {  	s7 =	sld [smem:$0x3FB1]  }
0x2d: {  	s3 =	simm.s32 $0x108;
	s8 =	sld [smem:$0x3FB2]  }
0x2e: {  	s3 =	simm.s32 @!p0 $0x1082;
	s9 =	sld [smem:$0x3FB3]  }
0x2f: {  	lr =	sadd.s32 s0, s3;
	s0 =	sld [smem:$0x3FAA]  }
0x30: {  	s3 =	sld [smem:$0x3FAD]  }
0x31: {  	[smem:$0x3FB6] =	sst s10  }
0x32: {  	s10 =	sld [smem:$0x3FB4];
	_ =	sdelay $0x3  }
0x33: {  	p0 =	seq.s32 s10, $0x1;
	s10 =	sld [smem:$0x3FB6];
	_ =	sdelay $0x3  }
0x34: {  	[smem:$0x3FB6] =	sst s10  }
0x35: {  	s10 =	sld [smem:$0x3FB5];
	_ =	sdelay $0x3  }
0x36: {  	p1 =	seq.s32 s10, $0x1;
	s10 =	sld [smem:$0x3FB6];
	_ =	sdelay $0x3  }
0x37: {  	[smem:$0x3FB6] =	sst s10  }
0x38: {  	s10 =	sld [smem:$0x3FB7]  }
0x39: {  	_ = 	snop;
	(pc) =	sbr.ind lr, $3  }
0x3a: {  	_ = 	snop  }
0x3b: {  	_ = 	snop  }
0x3c: {  	p2 =	seq.s32 s10, $0x1;
	s10 =	sld [smem:$0x3FB6]  }
0x3d: {  	_ =	shalt  }
0x3e: {  	_ =	shalt  }
0x3f: {  	_ =	shalt  }
0x40: {  	_ =	shalt  }
0x41: {  	_ =	shalt  }
0x42: {  	_ =	shalt  }
0x43: {  	_ =	shalt  }
0x44: {  	_ =	shalt  }
0x45: {  	_ =	shalt  }
0x46: {  	_ =	shalt  }
0x47: {  	_ =	shalt  }
0x48: {  	_ =	shalt  }
0x49: {  	_ =	shalt  }
0x4a: {  	_ =	shalt  }
0x4b: {  	_ =	shalt  }
0x4c: {  	_ =	shalt  }
0x4d: {  	_ =	shalt  }
0x4e: {  	_ =	shalt  }
0x4f: {  	_ =	shalt  }
0x50: {  	_ =	shalt  }
0x51: {  	_ =	shalt  }
0x52: {  	_ =	shalt  }
0x53: {  	_ =	shalt  }
0x54: {  	_ =	shalt  }
0x55: {  	_ =	shalt  }
0x56: {  	_ =	shalt  }
0x57: {  	_ =	shalt  }
0x58: {  	_ =	shalt  }
0x59: {  	_ =	shalt  }
0x5a: {  	_ =	shalt  }
0x5b: {  	_ =	shalt  }
0x5c: {  	_ =	shalt  }
0x5d: {  	_ =	shalt  }
0x5e: {  	_ =	shalt  }
0x5f: {  	_ =	shalt  }
0x60: {  	_ =	shalt  }
0x61: {  	_ =	shalt  }
0x62: {  	_ =	shalt  }
0x63: {  	_ =	shalt  }
0x64: {  	_ =	shalt  }
0x65: {  	_ =	shalt  }
0x66: {  	_ =	shalt  }
0x67: {  	_ =	shalt  }
0x68: {  	_ =	shalt  }
0x69: {  	_ =	shalt  }
0x6a: {  	_ =	shalt  }
0x6b: {  	_ =	shalt  }
0x6c: {  	_ =	shalt  }
0x6d: {  	_ =	shalt  }
0x6e: {  	_ =	shalt  }
0x6f: {  	_ =	shalt  }
0x70: {  	_ =	shalt  }
0x71: {  	_ =	shalt  }
0x72: {  	_ =	shalt  }
0x73: {  	_ =	shalt  }
0x74: {  	_ =	shalt  }
0x75: {  	_ =	shalt  }
0x76: {  	_ =	shalt  }
0x77: {  	_ =	shalt  }
0x78: {  	_ =	shalt  }
0x79: {  	_ =	shalt  }
0x7a: {  	_ =	shalt  }
0x7b: {  	_ =	shalt  }
0x7c: {  	_ =	shalt  }
0x7d: {  	_ =	shalt  }
0x7e: {  	_ =	shalt  }
0x7f: {  	_ =	shalt  }
0x80: {  	_ =	shalt  }
0x81: {  	_ =	shalt  }
0x82: {  	_ =	shalt  }
0x83: {  	_ =	shalt  }
0x84: {  	_ =	shalt  }
0x85: {  	_ =	shalt  }
0x86: {  	_ =	shalt  }
0x87: {  	_ =	shalt  }
.Lfunc_end0:
.L_simem_size_0:
called_computation.2_lowered:
.L_overlay_start_0:
0x88: {  	s2 =	sld [smem:$0x3FD9]  }
0x89: {  	s3 =	sld [smem:$0x3FFE];
	_ =	sdelay $0x1  }
0x8a: {  	s1 =	srdreg.scid  }
0x8b: {  	s0 =	sand.u32 $0x1, s1  }
0x8c: {  	s17 =	sshll.u32 s0, $0xA;
	s2 =	sadd.s32 s3, s2  }
0x8d: {  	s2 =	sadd.s32 s2, s17  }
0x8e: {  	[smem:$0x3FC2] =	sst s2  }
0x8f: {  	_ = 	snop  }
0x90: {  	s2 =	sld [smem:$0x3FD0];
	(tm) =	ssettm $0x1  }
0x91: {  	s18 =	sld [smem:$0x3FFB];
	_ =	sdelay $0x3  }
0x92: {  	_ =	strace s18  }
0x93: {  	s3 =	sld [smem:$0x3FFC];
	_ =	sdelay $0x3  }
0x94: {  	_ =	strace s3  }
0x95: {  	s3 =	sld [smem:$0x3FFD];
	_ =	sdelay $0x3  }
0x96: {  	_ =	strace s3  }
0x97: {  	_ =	strace $0x8FFFFFFF  }
0x98: {  	s19 =	sld [smem:$0x3FDB];
	_ =	sdelay $0x1  }
0x99: {  	s4 =	simm.s32 $_scs_section_size  }
0x9a: {  	s5 =	simm.s32 $_size__tile_overlayer_lowered;
	s6 =	simm.s32 $_tile_overlayer_lowered  }
0x9b: {  	s22 =	simm.s32 $0x1BFF;
	s21 =	sshll.u32 s6, $0x1;
	s3 =	sadd.s32 s4, s19  }
0x9c: {  	s7 =	simm.s32 $0x0;
	s20 =	sshll.u32 s5, $0x1;
	s5 =	sadd.s32 s21, s3  }
0x9d: {  	[timem:s7], [sflag:s22] =	dma.local [hbm:s5], s20  }
0x9e: {  	_ =	swait.ge [sflag:s22], s20  }
0x9f: {  	s4 =	ssub.s32 $0x0, s20;
	[sflag:s22] =	ssyncset.done $0x0  }
0xa0: {  	[sflag:s22] =	ssyncadd.s32 s4;
	_ =	sdelay $0x1  }
0xa1: {  	s23 =	simm.s32 $0x1B8B  }
0xa2: {  	_ =	swait.ge [sflag:s23], $0x1  }
0xa3: {  	[sflag:s23] =	ssyncset.done $0x0  }
0xa4: {  	s25 =	simm.s32 $0x1B8E;
	s24 =	sld [smem:$0x3FFE];
	[sflag:s23] =	ssyncadd.s32 $0xFFFFFFFF  }
0xa5: {  	s26 =	simm.s32 $execute0_lowered;
	[smem:$0x3FD2] =	sst s25  }
0xa6: {  	s5 =	sshll.u32 s26, $0x1;
	_ =	strace $0x8000004C;
	[dreg:$0x1] =	wrdreg $0xFFFFFFFF  }
0xa7: {  	s28 =	simm.s32 $_size_execute0_lowered;
	s3 =	sadd.s32 s3, s5;
	[dreg:$0x0] =	wrdreg $0x0  }
0xa8: {  	s5 =	sshll.u32 s28, $0x1;
	[dreg:$0x2] =	wrdreg s3  }
0xa9: {  	[dreg:$0x3] =	wrdreg s5  }
0xaa: {  	[dreg:$0x4] =	wrdreg $0xC0  }
0xab: {  	_ =	task [dreg:s7], $0x5FFFF  }
0xac: {  	[dreg:$0x1] =	wrdreg $0xFFFFFFFF  }
0xad: {  	[dreg:$0x0] =	wrdreg $0x60  }
0xae: {  	[dreg:$0x2] =	wrdreg s2  }
0xaf: {  	[dreg:$0x3] =	wrdreg s24  }
0xb0: {  	[dreg:$0x4] =	wrdreg $0x58000  }
0xb1: {  	[dreg:$0x5] =	wrdreg $0x9  }
0xb2: {  	_ =	task.clear_ibuf [dreg:s7], $0x6FFFF;
	_ =	strace $0x9000004C  }
0xb3: {  	s29 =	simm.s32 $0x9;
	_ =	strace $0x8000004E  }
0xb4: {  	_ =	swait.ge [sflag:s29], $0x1  }
0xb5: {  	[sflag:s29] =	ssyncadd.s32 $0xFFFFFFFF  }
0xb6: {  	_ =	strace $0x9000004E  }
0xb7: {  	_ =	sfence  }
0xb8: {  	s30 =	sld [smem:$0x0];
	_ =	sdelay $0x2  }
0xb9: {  	s31 =	sshll.u32 s1, $0xD;
	s1 =	sshrl.u32 s1, $0x2  }
0xba: {  	s3 =	sand.u32 $0x4000, s31;
	s1 =	sadd.s32 s1, s30  }
0xbb: {  	s0 =	sor.u32 s3, s0;
	s1 =	sshll.u32 s1, $0x11  }
0xbc: {  	s0 =	sor.u32 s1, s0  }
0xbd: {  	s0 =	sadd.s32 $0x8F2B, s0  }
0xbe: {  	[sflag:s0] =	ssyncadd.remote.s32 $0x1  }
0xbf: {  	_ =	sfence.sel $0xFFFF  }
0xc0: {  	[dreg:$0x0] =	wrdreg $0xFFFFFFFF;
	(pc) =	sbr.abs _section_cstart, $3  }
0xc1: {  	[dreg:$0x1] =	wrdreg $0xFFFFFFFF  }
0xc2: {  	_ =	task.clear_ibuf [dreg:s7], $0x2FFFF;
	_ =	strace $0x9FFFFFFF  }
0xc3: {  	(tm) =	ssettm $0x7FFFFFFF  }
tec
execute0_lowered:
.L_overlay_start_1:
0x0: {  	(tag) =	ssettag $0x1  }
0x1: {  	s2 =	rddreg [dreg:$0x0]  }
0x2: {  	s1 =	srdreg.scid;
	s6 =	rddreg [dreg:$0x1]  }
0x3: {  	s0 =	stileid.u32;
	s3 =	rddreg [dreg:$0x2]  }
0x4: {  	s4 =	simm.s32 $0x0;
	s14 =	simm.s32 $0x80;
	s15 =	simm.s32 $0x5000  }
0x5: {  	s16 =	simm.s32 $0x0;
	s5 =	sand.u32 $0x1, s1;
	s26 =	sshll.u32 s0, $0x1  }
0x6: {  	s8 =	smul.u32 $0x2800, s0;
	[smem:$0x7FF] =	sst s4;
	s31 =	sshll.u32 s0, $0x6  }
0x7: {  	s1 =	sor.u32 s5, s26;
	s9 =	smul.u32 $0x28000, s5;
	s5 =	ssub.s32 $0x2, s5  }
0x8: {  	s7 =	smul.u32 $0x500, s1;
	s1 =	rddreg [dreg:$0x3];
	_ =	strace $0x8000004D  }
0x9: {  	s29 =	sshrl.u32 s8, $0x3;
	s30 =	sshrl.u32 s5, $0x1;
	s13 =	sadd.s32 s8, s3  }
0xa: {  	s28 =	sadd.s32 s8, s9;
	s9 =	sadd.s32 s29, s6;
	s12 =	ssub.s32 s5, s30  }
0xb: {  	s10 =	sadd.s32 s7, s6;
	s7 =	sshrl.u32 s28, $0x3;
	s5 =	sadd.s32 $0xC000, s9  }
0xc: {  	s11 =	sadd.s32 s7, s6;
	s6 =	sor.u32 $0x1C01, s31;
	s7 =	sadd.s32 $0x1B000, s10  }
0xd: {  	s8 =	sadd.s32 $0x2000, s10;
	s10 =	smax.u32 s12, $0x1;
	s12 =	simm.s32 $0x1  }
0xe: {  	s9 =	sadd.s32 $0x11000, s11;
	s11 =	sshrl.u32 s13, $0x3;
	s13 =	simm.s32 $0x2800  }
.LBB2_1:
0xf: {  	[spmem:s11], [sflag:s6] =	dma.local [hbm:s5], $0x500  }
0x10: {  	_ =	swait.ge [sflag:s12], $0x500  }
0x11: {  	[sflag:s12] =	ssyncset.done $0x0  }
0x12: {  	[sflag:s12] =	ssyncadd.s32 $0xFFFFFB00  }
0x13: {  	[tilespmem:s4], [sflag:$0x1] =	stream.linear.gather [hbm4b:s7+s4], $0x2800, $0x38;
	[tilespmem:$0x8000] =	vst v63  }
0x14: {  	_ =	swait.ge [sflag:s12], $0x2800  }
0x15: {  	[sflag:s12] =	ssyncset.done $0x0  }
0x16: {  	[sflag:s12] =	ssyncadd.s32 $0xFFFFD800  }
0x17: {  	[tilespmem:s13], [sflag:$0x1] =	stream.linear.gather [hbm4b:s8+s4], $0x2800, $0x38;
	[tilespmem:$0x8000] =	vst v63  }
0x18: {  	_ =	swait.ge [sflag:s12], $0x2800  }
0x19: {  	[sflag:s12] =	ssyncset.done $0x0  }
0x1a: {  	[sflag:s12] =	ssyncadd.s32 $0xFFFFD800  }
0x1b: {  	s17 =	simm.s32 $0x0;
	[bflag:$0x0] =	sbarrier.arrive $0xFFFF  }
0x1c: {  	[tilespmem:s15], [sflag:$0x1] =	stream.indirect.gather [hbm4b:s2+s14], $0x10, s17, s14, $0xb8;
	[tilespmem:$0x8000] =	vst v63  }
0x1d: {  	_ =	swait.ge [sflag:s12], $0x800  }
0x1e: {  	[sflag:s12] =	ssyncset.done $0x0  }
0x1f: {  	s31 =	simm.s32 $0x2800;
	[sflag:s12] =	ssyncadd.s32 $0xFFFFF800  }
0x20: {  	[spmem:s3] =	stream.indirect.scatter.add.f32 [tilespmem:s15], [sflag:$0x1], $0x10, s31, s14, $0xb8;
	[tilespmem:$0x8000] =	vst v63  }
0x21: {  	_ =	swait.ge [sflag:s12], $0x800  }
0x22: {  	s18 =	simm.s32 $0x400;
	s17 =	simm.s32 $0x200;
	[sflag:s12] =	ssyncset.done $0x0  }
.LBB2_2:
0x23: {  	s19 =	sshra.s32 s17, $0x2  }
0x24: {  	[sflag:s12] =	ssyncadd.s32 $0xFFFFF800;
	s17 =	smov.u32 s18;
	s20 =	sadd.s32 $0x200, s18  }
0x25: {  	[tilespmem:s15], [sflag:$0x1] =	stream.indirect.gather [hbm4b:s2+s14], $0x10, s19, s14, $0xb8;
	[tilespmem:$0x8000] =	vst v63  }
0x26: {  	p0 =	sne.s32 s18, $0x9E00;
	_ =	swait.ge [sflag:s12], $0x800  }
.Ltmp0:
0x27: {  	[sflag:s12] =	ssyncset.done $0x0;
	(pc) =	sbr.rel @p0 .LBB2_2-.Ltmp0, $4  }
0x28: {  	s18 =	sadd.s32 $0x2800, s19;
	[sflag:s12] =	ssyncadd.s32 $0xFFFFF800  }
0x29: {  	[spmem:s3] =	stream.indirect.scatter.add.f32 [tilespmem:s15], [sflag:$0x1], $0x10, s18, s14, $0xb8;
	[tilespmem:$0x8000] =	vst v63  }
0x2a: {  	_ =	swait.ge [sflag:s12], $0x800  }
0x2b: {  	s18 =	smov.u32 s20;
	[sflag:s12] =	ssyncset.done $0x0  }
0x2c: {  	s17 =	sshra.s32 s17, $0x2;
	[sflag:s12] =	ssyncadd.s32 $0xFFFFF800  }
0x2d: {  	[tilespmem:s15], [sflag:$0x1] =	stream.indirect.gather [hbm4b:s2+s14], $0x10, s17, s14, $0xb8;
	[tilespmem:$0x8000] =	vst v63  }
0x2e: {  	_ =	swait.ge [sflag:s12], $0x800  }
0x2f: {  	[sflag:s12] =	ssyncset.done $0x0  }
0x30: {  	s17 =	sadd.s32 $0x2800, s17;
	[sflag:s12] =	ssyncadd.s32 $0xFFFFF800  }
0x31: {  	[spmem:s3] =	stream.indirect.scatter.add.f32 [tilespmem:s15], [sflag:$0x1], $0x10, s17, s14, $0xb8;
	[tilespmem:$0x8000] =	vst v63  }
0x32: {  	_ =	swait.ge [sflag:s12], $0x800  }
0x33: {  	s16 =	sadd.s32 $0x1, s16;
	[sflag:s12] =	ssyncset.done $0x0  }
0x34: {  	p0 =	sne.s32 s16, s10;
	[sflag:s12] =	ssyncadd.s32 $0xFFFFF800  }
.Ltmp1:
0x35: {  	[bflag:$0x0] =	sbarrier.arrive $0xFFFF;
	(pc) =	sbr.rel @p0 .LBB2_1-.Ltmp1, $4  }
0x36: {  	[hbm:s9], [sflag:s6] =	dma.local [spmem:s11], $0x500  }
0x37: {  	_ =	swait.ge [sflag:s12], $0x500  }
0x38: {  	[sflag:s12] =	ssyncset.done $0x0  }
0x39: {  	[sflag:s12] =	ssyncadd.s32 $0xFFFFFB00  }
0x3a: {  	_ =	sfence.sel $0x180000  }
0x3b: {  	[bflag:$0x0] =	sbarrier.arrive $0xFFFF  }
0x3c: {  	p0 =	sne.s32 s0, $0x0;
	_ =	strace $0x9000004D  }
0x3d: {  	s0 =	sadd.s32 @!p0 $0x100000, s1;
	[bflag:$0x2] =	sbarrier.arrive $0xFFFF  }
0x3e: {  	[sflag:s0] =	ssyncadd.tile.s32 @!p0 $0x1;
	_ =	shalt  }
.Lfunc_end2:
_tile_overlayer_lowered:
.L_overlay_start_2:
0x3f: {  	(tag) =	ssettag $0x2  }
0x40: {  	s0 =	rddreg [dreg:$0x0];
	s2 =	stileid.u32  }
0x41: {  	s1 =	rddreg [dreg:$0x1];
	p0 =	sne.s32 s2, $0x0  }
0x42: {  	s3 =	rddreg [dreg:$0x2];
	[bflag:$0x3] =	sbarrier.arrive $0xFFFF;
	s2 =	simm.s32 @!p0 $0x1C01  }
0x43: {  	[timem:s3], [sflag:s2] =	dma.local @!p0 [hbm:s0], s1  }
0x44: {  	s0 =	simm.s32 @!p0 $0x1  }
0x45: {  	_ =	swait.ge @!p0 [sflag:s0], s1  }
0x46: {  	s1 =	ssub.s32 @!p0 $0x0, s1;
	[sflag:s0] =	ssyncset.done @!p0 $0x0  }
0x47: {  	[sflag:s0] =	ssyncadd.s32 @!p0 s1  }
0x48: {  	[bflag:$0x3] =	sbarrier.arrive $0xFFFF  }
0x49: {  	_ =	shalt  }

// kernel: kernel.9.cloned.1.call-start
scs
__scs_entry_jumppad:
0x0: {  	(pc) =	sbr.rel $0x88, $3  }
0x1: {  	(tag) =	ssettag $0x0;
	lr =	simm.s32 $0x1  }
0x2: {  	[smem:$0x3F9B] =	sst lr;
	_ =	strace $0xD0000000  }
0x3: {  	_ = 	snop  }
0x4: {  	_ = 	snop  }
0x5: {  	_ = 	snop  }
0x6: {  	_ = 	snop  }
0x7: {  	_ = 	snop  }
__scs_overlays_trampoline_lowered:
0x8: {  	[smem:$0x3FAA] =	sst s0  }
0x9: {  	[smem:$0x3FAB] =	sst s1  }
0xa: {  	[smem:$0x3FAC] =	sst s2  }
0xb: {  	[smem:$0x3FAD] =	sst s3  }
0xc: {  	[smem:$0x3FAE] =	sst s4  }
0xd: {  	[smem:$0x3FAF] =	sst s5  }
0xe: {  	[smem:$0x3FB0] =	sst s6  }
0xf: {  	[smem:$0x3FB1] =	sst s7  }
0x10: {  	[smem:$0x3FB2] =	sst s8  }
0x11: {  	[smem:$0x3FB3] =	sst s9;
	s0 =	simm.s32 @!p0 $0x0  }
0x12: {  	s1 =	sld [smem:$0x3F99];
	s0 =	simm.s32 @p0 $0x1  }
0x13: {  	[smem:$0x3FB4] =	sst s0;
	s0 =	simm.s32 @!p1 $0x0  }
0x14: {  	s2 =	sld [smem:$0x3F98];
	s0 =	simm.s32 @p1 $0x1  }
0x15: {  	[smem:$0x3FB5] =	sst s0;
	s0 =	simm.s32 @!p2 $0x0  }
0x16: {  	s3 =	sld [smem:$0x3FDB];
	s0 =	simm.s32 @p2 $0x1  }
0x17: {  	s4 =	simm.s32 $0x1BF5;
	[smem:$0x3FB7] =	sst s0  }
0x18: {  	s0 =	sld [smem:$0x3F9A];
	_ =	swait.ge [sflag:s4], $0x0  }
0x19: {  	s7 =	sld [smem:$0x3F9B]  }
0x1a: {  	s8 =	sadd.s32 $0xFFFFE003, lr  }
0x1b: {  	s9 =	sadd.s32 $0xFFFFFEF7, lr;
	s5 =	simm.s32 $0xFFFFFFFF;
	p2 =	slt.u32 s8, $0xFFFFF086  }
0x1c: {  	p1 =	slt.u32 s9, $0xF7A;
	s5 =	simm.s32 @!p2 $0x0  }
0x1d: {  	s5 =	simm.s32 @p1 $0x1;
	p0 =	seq.s32 s7, s2  }
0x1e: {  	s7 =	smul.u32 @!p0 $0xF7A, s2;
	p2 =	seq.s32 @!p0 s5, $0x0  }
0x1f: {  	s9 =	smul.u32 $0xF7A, s1;
	s8 =	simm.s32 @!p0 $0x1BF5;
	p2 =	por !p2, p0  }
0x20: {  	[sflag:s8] =	ssyncset.s32 @!p0 $0xFFFFF086;
	s6 =	sadd.s32 @!p0 s3, s7;
	s7 =	simm.s32 @!p0 $0x108  }
0x21: {  	s3 =	sadd.s32 s3, s9;
	s6 =	sadd.s32 @!p0 $0x88, s6;
	s7 =	simm.s32 @p2 $0x1082  }
0x22: {  	[simem:s7], [sflag:s8] =	dma.local @!p0 [hbm:s6], $0xF7A  }
0x23: {  	s9 =	sor.u32 $0xD0000000, s2;
	s6 =	simm.s32 $0x108;
	_ =	swait.ge @!p0 [sflag:s8], $0x0  }
0x24: {  	s3 =	sadd.s32 $0x88, s3;
	s6 =	simm.s32 @!p1 $0x1082;
	[sflag:s4] =	ssyncset.s32 $0xFFFFF086  }
0x25: {  	[simem:s6], [sflag:s4] =	dma.local [hbm:s3], $0xF7A  }
0x26: {  	[smem:$0x3F9B] =	sst s1;
	(tag) =	ssettag s2;
	_ =	strace s9  }
0x27: {  	s1 =	sld [smem:$0x3FAB]  }
0x28: {  	s2 =	sld [smem:$0x3FAC]  }
0x29: {  	s4 =	sld [smem:$0x3FAE]  }
0x2a: {  	p0 =	seq.s32 s5, $0x0;
	s5 =	sld [smem:$0x3FAF]  }
0x2b: {  	s6 =	sld [smem:$0x3FB0]  }
0x2c: {  	s7 =	sld [smem:$0x3FB1]  }
0x2d: {  	s3 =	simm.s32 $0x108;
	s8 =	sld [smem:$0x3FB2]  }
0x2e: {  	s3 =	simm.s32 @!p0 $0x1082;
	s9 =	sld [smem:$0x3FB3]  }
0x2f: {  	lr =	sadd.s32 s0, s3;
	s0 =	sld [smem:$0x3FAA]  }
0x30: {  	s3 =	sld [smem:$0x3FAD]  }
0x31: {  	[smem:$0x3FB6] =	sst s10  }
0x32: {  	s10 =	sld [smem:$0x3FB4];
	_ =	sdelay $0x3  }
0x33: {  	p0 =	seq.s32 s10, $0x1;
	s10 =	sld [smem:$0x3FB6];
	_ =	sdelay $0x3  }
0x34: {  	[smem:$0x3FB6] =	sst s10  }
0x35: {  	s10 =	sld [smem:$0x3FB5];
	_ =	sdelay $0x3  }
0x36: {  	p1 =	seq.s32 s10, $0x1;
	s10 =	sld [smem:$0x3FB6];
	_ =	sdelay $0x3  }
0x37: {  	[smem:$0x3FB6] =	sst s10  }
0x38: {  	s10 =	sld [smem:$0x3FB7]  }
0x39: {  	_ = 	snop;
	(pc) =	sbr.ind lr, $3  }
0x3a: {  	_ = 	snop  }
0x3b: {  	_ = 	snop  }
0x3c: {  	p2 =	seq.s32 s10, $0x1;
	s10 =	sld [smem:$0x3FB6]  }
0x3d: {  	_ =	shalt  }
0x3e: {  	_ =	shalt  }
0x3f: {  	_ =	shalt  }
0x40: {  	_ =	shalt  }
0x41: {  	_ =	shalt  }
0x42: {  	_ =	shalt  }
0x43: {  	_ =	shalt  }
0x44: {  	_ =	shalt  }
0x45: {  	_ =	shalt  }
0x46: {  	_ =	shalt  }
0x47: {  	_ =	shalt  }
0x48: {  	_ =	shalt  }
0x49: {  	_ =	shalt  }
0x4a: {  	_ =	shalt  }
0x4b: {  	_ =	shalt  }
0x4c: {  	_ =	shalt  }
0x4d: {  	_ =	shalt  }
0x4e: {  	_ =	shalt  }
0x4f: {  	_ =	shalt  }
0x50: {  	_ =	shalt  }
0x51: {  	_ =	shalt  }
0x52: {  	_ =	shalt  }
0x53: {  	_ =	shalt  }
0x54: {  	_ =	shalt  }
0x55: {  	_ =	shalt  }
0x56: {  	_ =	shalt  }
0x57: {  	_ =	shalt  }
0x58: {  	_ =	shalt  }
0x59: {  	_ =	shalt  }
0x5a: {  	_ =	shalt  }
0x5b: {  	_ =	shalt  }
0x5c: {  	_ =	shalt  }
0x5d: {  	_ =	shalt  }
0x5e: {  	_ =	shalt  }
0x5f: {  	_ =	shalt  }
0x60: {  	_ =	shalt  }
0x61: {  	_ =	shalt  }
0x62: {  	_ =	shalt  }
0x63: {  	_ =	shalt  }
0x64: {  	_ =	shalt  }
0x65: {  	_ =	shalt  }
0x66: {  	_ =	shalt  }
0x67: {  	_ =	shalt  }
0x68: {  	_ =	shalt  }
0x69: {  	_ =	shalt  }
0x6a: {  	_ =	shalt  }
0x6b: {  	_ =	shalt  }
0x6c: {  	_ =	shalt  }
0x6d: {  	_ =	shalt  }
0x6e: {  	_ =	shalt  }
0x6f: {  	_ =	shalt  }
0x70: {  	_ =	shalt  }
0x71: {  	_ =	shalt  }
0x72: {  	_ =	shalt  }
0x73: {  	_ =	shalt  }
0x74: {  	_ =	shalt  }
0x75: {  	_ =	shalt  }
0x76: {  	_ =	shalt  }
0x77: {  	_ =	shalt  }
0x78: {  	_ =	shalt  }
0x79: {  	_ =	shalt  }
0x7a: {  	_ =	shalt  }
0x7b: {  	_ =	shalt  }
0x7c: {  	_ =	shalt  }
0x7d: {  	_ =	shalt  }
0x7e: {  	_ =	shalt  }
0x7f: {  	_ =	shalt  }
0x80: {  	_ =	shalt  }
0x81: {  	_ =	shalt  }
0x82: {  	_ =	shalt  }
0x83: {  	_ =	shalt  }
0x84: {  	_ =	shalt  }
0x85: {  	_ =	shalt  }
0x86: {  	_ =	shalt  }
0x87: {  	_ =	shalt  }
.Lfunc_end0:
.L_simem_size_0:
called_computation_lowered:
.L_overlay_start_0:
0x88: {  	s2 =	sld [smem:$0x3FD9]  }
0x89: {  	s3 =	sld [smem:$0x3FFE];
	_ =	sdelay $0x1  }
0x8a: {  	s1 =	srdreg.scid  }
0x8b: {  	s0 =	sand.u32 $0x1, s1  }
0x8c: {  	s17 =	sshll.u32 s0, $0xA;
	s2 =	sadd.s32 s3, s2  }
0x8d: {  	s2 =	sadd.s32 s2, s17  }
0x8e: {  	[smem:$0x3FC2] =	sst s2  }
0x8f: {  	_ = 	snop  }
0x90: {  	s2 =	sld [smem:$0x3FD0];
	(tm) =	ssettm $0x1  }
0x91: {  	s18 =	sld [smem:$0x3FFB];
	_ =	sdelay $0x3  }
0x92: {  	_ =	strace s18  }
0x93: {  	s3 =	sld [smem:$0x3FFC];
	_ =	sdelay $0x3  }
0x94: {  	_ =	strace s3  }
0x95: {  	s3 =	sld [smem:$0x3FFD];
	_ =	sdelay $0x3  }
0x96: {  	_ =	strace s3  }
0x97: {  	_ =	strace $0x8FFFFFFF  }
0x98: {  	s19 =	sld [smem:$0x3FDB];
	_ =	sdelay $0x1  }
0x99: {  	s4 =	simm.s32 $_scs_section_size  }
0x9a: {  	s5 =	simm.s32 $_size__tile_overlayer_lowered;
	s6 =	simm.s32 $_tile_overlayer_lowered  }
0x9b: {  	s22 =	simm.s32 $0x1BFF;
	s21 =	sshll.u32 s6, $0x1;
	s3 =	sadd.s32 s4, s19  }
0x9c: {  	s7 =	simm.s32 $0x0;
	s20 =	sshll.u32 s5, $0x1;
	s5 =	sadd.s32 s21, s3  }
0x9d: {  	[timem:s7], [sflag:s22] =	dma.local [hbm:s5], s20  }
0x9e: {  	_ =	swait.ge [sflag:s22], s20  }
0x9f: {  	s4 =	ssub.s32 $0x0, s20;
	[sflag:s22] =	ssyncset.done $0x0  }
0xa0: {  	[sflag:s22] =	ssyncadd.s32 s4;
	_ =	sdelay $0x1  }
0xa1: {  	s23 =	simm.s32 $0x1B8B  }
0xa2: {  	_ =	swait.ge [sflag:s23], $0x1  }
0xa3: {  	[sflag:s23] =	ssyncset.done $0x0  }
0xa4: {  	s25 =	simm.s32 $0x1B8E;
	s24 =	sld [smem:$0x3FFE];
	[sflag:s23] =	ssyncadd.s32 $0xFFFFFFFF  }
0xa5: {  	s26 =	simm.s32 $execute0_lowered;
	[smem:$0x3FD2] =	sst s25  }
0xa6: {  	s5 =	sshll.u32 s26, $0x1;
	_ =	strace $0x80000046;
	[dreg:$0x1] =	wrdreg $0xFFFFFFFF  }
0xa7: {  	s28 =	simm.s32 $_size_execute0_lowered;
	s3 =	sadd.s32 s3, s5;
	[dreg:$0x0] =	wrdreg $0x0  }
0xa8: {  	s5 =	sshll.u32 s28, $0x1;
	[dreg:$0x2] =	wrdreg s3  }
0xa9: {  	[dreg:$0x3] =	wrdreg s5  }
0xaa: {  	[dreg:$0x4] =	wrdreg $0xC0  }
0xab: {  	_ =	task [dreg:s7], $0x5FFFF  }
0xac: {  	[dreg:$0x1] =	wrdreg $0xFFFFFFFF  }
0xad: {  	[dreg:$0x0] =	wrdreg $0x60  }
0xae: {  	[dreg:$0x2] =	wrdreg s24  }
0xaf: {  	[dreg:$0x3] =	wrdreg s2  }
0xb0: {  	[dreg:$0x4] =	wrdreg $0x30000  }
0xb1: {  	[dreg:$0x5] =	wrdreg $0x9  }
0xb2: {  	_ =	task.clear_ibuf [dreg:s7], $0x6FFFF;
	_ =	strace $0x90000046  }
0xb3: {  	s29 =	simm.s32 $0x9;
	_ =	strace $0x80000048  }
0xb4: {  	_ =	swait.ge [sflag:s29], $0x1  }
0xb5: {  	[sflag:s29] =	ssyncadd.s32 $0xFFFFFFFF  }
0xb6: {  	_ =	strace $0x90000048  }
0xb7: {  	_ =	sfence  }
0xb8: {  	s30 =	sld [smem:$0x0];
	_ =	sdelay $0x2  }
0xb9: {  	s31 =	sshll.u32 s1, $0xD;
	s1 =	sshrl.u32 s1, $0x2  }
0xba: {  	s3 =	sand.u32 $0x4000, s31;
	s1 =	sadd.s32 s1, s30  }
0xbb: {  	s0 =	sor.u32 s3, s0;
	s1 =	sshll.u32 s1, $0x11  }
0xbc: {  	s0 =	sor.u32 s1, s0  }
0xbd: {  	s0 =	sadd.s32 $0x8F2B, s0  }
0xbe: {  	[sflag:s0] =	ssyncadd.remote.s32 $0x1  }
0xbf: {  	_ =	sfence.sel $0xFFFF  }
0xc0: {  	[dreg:$0x0] =	wrdreg $0xFFFFFFFF;
	(pc) =	sbr.abs _section_cstart, $3  }
0xc1: {  	[dreg:$0x1] =	wrdreg $0xFFFFFFFF  }
0xc2: {  	_ =	task.clear_ibuf [dreg:s7], $0x2FFFF;
	_ =	strace $0x9FFFFFFF  }
0xc3: {  	(tm) =	ssettm $0x7FFFFFFF  }
tec
execute0_lowered:
.L_overlay_start_1:
0x0: {  	(tag) =	ssettag $0x1  }
0x1: {  	s1 =	srdreg.scid;
	s5 =	rddreg [dreg:$0x0]  }
0x2: {  	s0 =	stileid.u32;
	s2 =	rddreg [dreg:$0x1]  }
0x3: {  	s3 =	rddreg [dreg:$0x2];
	s4 =	simm.s32 $0x0;
	s13 =	simm.s32 $0x80  }
0x4: {  	s14 =	simm.s32 $0x1;
	s15 =	simm.s32 $0x0;
	s6 =	sand.u32 $0x1, s1  }
0x5: {  	s30 =	sshll.u32 s0, $0x1;
	s8 =	smul.u32 $0x2800, s0;
	[smem:$0x7FF] =	sst s4  }
0x6: {  	s31 =	sshll.u32 s0, $0x6;
	s1 =	sor.u32 s6, s30;
	s9 =	smul.u32 $0x28000, s6  }
0x7: {  	s6 =	ssub.s32 $0x2, s6;
	s7 =	smul.u32 $0x500, s1;
	s1 =	rddreg [dreg:$0x3]  }
0x8: {  	_ =	strace $0x80000047;
	s10 =	sshrl.u32 s8, $0x3;
	s11 =	sshrl.u32 s6, $0x1  }
0x9: {  	s12 =	sadd.s32 s8, s3;
	s9 =	sadd.s32 s8, s9;
	s10 =	sadd.s32 s10, s5  }
0xa: {  	s11 =	ssub.s32 s6, s11;
	s6 =	sor.u32 $0x1C02, s31;
	s9 =	sshrl.u32 s9, $0x3  }
0xb: {  	s7 =	sadd.s32 s7, s5;
	s9 =	sadd.s32 s9, s5;
	s5 =	sadd.s32 $0xC000, s10  }
0xc: {  	s7 =	sadd.s32 $0x2000, s7;
	s10 =	sshrl.u32 s12, $0x3;
	s12 =	simm.s32 $0x2800  }
0xd: {  	s8 =	sadd.s32 $0x11000, s9;
	s9 =	smax.u32 s11, $0x1;
	s11 =	simm.s32 $0x2  }
.LBB2_1:
0xe: {  	[spmem:s10], [sflag:s6] =	dma.local [hbm:s5], $0x500  }
0xf: {  	_ =	swait.ge [sflag:s11], $0x500  }
0x10: {  	[sflag:s11] =	ssyncset.done $0x0  }
0x11: {  	[sflag:s11] =	ssyncadd.s32 $0xFFFFFB00  }
0x12: {  	[tilespmem:s12], [sflag:$0x2] =	stream.linear.gather [hbm4b:s2+s4], $0x800, $0x38;
	[tilespmem:$0x5800] =	vst v63  }
0x13: {  	_ =	swait.ge [sflag:s11], $0x800  }
0x14: {  	[sflag:s11] =	ssyncset.done $0x0  }
0x15: {  	[sflag:s11] =	ssyncadd.s32 $0xFFFFF800  }
0x16: {  	[tilespmem:s4], [sflag:$0x2] =	stream.linear.gather [hbm4b:s7+s4], $0x2800, $0x38;
	[tilespmem:$0x5800] =	vst v63  }
0x17: {  	_ =	swait.ge [sflag:s11], $0x2800  }
0x18: {  	[sflag:s11] =	ssyncset.done $0x0  }
0x19: {  	[sflag:s11] =	ssyncadd.s32 $0xFFFFD800  }
0x1a: {  	s16 =	simm.s32 $0x0;
	[bflag:$0x0] =	sbarrier.arrive $0xFFFF  }
0x1b: {  	[spmem:s3] =	stream.indirect.scatter.add.f32 [tilespmem:s12], [sflag:$0x1], $0x10, s16, s13, $0xb8;
	[tilespmem:$0x5800] =	vst v63  }
0x1c: {  	s29 =	simm.s32 $0x80  }
0x1d: {  	[spmem:s3] =	stream.indirect.scatter.add.f32 [tilespmem:s12], [sflag:$0x1], $0x10, s29, s13, $0xb8;
	[tilespmem:$0x5800] =	vst v63  }
0x1e: {  	s30 =	simm.s32 $0x100  }
0x1f: {  	[spmem:s3] =	stream.indirect.scatter.add.f32 [tilespmem:s12], [sflag:$0x1], $0x10, s30, s13, $0xb8;
	[tilespmem:$0x5800] =	vst v63  }
0x20: {  	s31 =	simm.s32 $0x180  }
0x21: {  	[spmem:s3] =	stream.indirect.scatter.add.f32 [tilespmem:s12], [sflag:$0x1], $0x10, s31, s13, $0xb8;
	[tilespmem:$0x5800] =	vst v63  }
0x22: {  	_ =	swait.ge [sflag:s14], $0x800  }
0x23: {  	[sflag:s14] =	ssyncset.done $0x0  }
0x24: {  	[sflag:s14] =	ssyncadd.s32 $0xFFFFF800  }
0x25: {  	_ =	swait.ge [sflag:s14], $0x800  }
0x26: {  	[sflag:s14] =	ssyncset.done $0x0  }
0x27: {  	[sflag:s14] =	ssyncadd.s32 $0xFFFFF800  }
0x28: {  	_ =	swait.ge [sflag:s14], $0x800  }
0x29: {  	[sflag:s14] =	ssyncset.done $0x0  }
0x2a: {  	[sflag:s14] =	ssyncadd.s32 $0xFFFFF800  }
0x2b: {  	_ =	swait.ge [sflag:s14], $0x800  }
0x2c: {  	s17 =	simm.s32 $0x1000;
	s16 =	simm.s32 $0x800;
	[sflag:s14] =	ssyncset.done $0x0  }
.LBB2_2:
0x2d: {  	s18 =	sshra.s32 s16, $0x2  }
0x2e: {  	[sflag:s14] =	ssyncadd.s32 $0xFFFFF800;
	s16 =	smov.u32 s17;
	s19 =	sadd.s32 $0x800, s17  }
0x2f: {  	[spmem:s3] =	stream.indirect.scatter.add.f32 [tilespmem:s12], [sflag:$0x1], $0x10, s18, s13, $0xb8;
	[tilespmem:$0x5800] =	vst v63  }
0x30: {  	p0 =	sne.s32 s17, $0x9800;
	s17 =	sadd.s32 $0x80, s18  }
0x31: {  	[spmem:s3] =	stream.indirect.scatter.add.f32 [tilespmem:s12], [sflag:$0x1], $0x10, s17, s13, $0xb8;
	[tilespmem:$0x5800] =	vst v63  }
0x32: {  	s17 =	sadd.s32 $0x100, s18  }
0x33: {  	[spmem:s3] =	stream.indirect.scatter.add.f32 [tilespmem:s12], [sflag:$0x1], $0x10, s17, s13, $0xb8;
	[tilespmem:$0x5800] =	vst v63  }
0x34: {  	s17 =	sadd.s32 $0x180, s18  }
0x35: {  	[spmem:s3] =	stream.indirect.scatter.add.f32 [tilespmem:s12], [sflag:$0x1], $0x10, s17, s13, $0xb8;
	[tilespmem:$0x5800] =	vst v63  }
0x36: {  	_ =	swait.ge [sflag:s14], $0x800  }
0x37: {  	[sflag:s14] =	ssyncset.done $0x0  }
0x38: {  	[sflag:s14] =	ssyncadd.s32 $0xFFFFF800  }
0x39: {  	_ =	swait.ge [sflag:s14], $0x800  }
0x3a: {  	[sflag:s14] =	ssyncset.done $0x0  }
0x3b: {  	[sflag:s14] =	ssyncadd.s32 $0xFFFFF800  }
.Ltmp0:
0x3c: {  	_ =	swait.ge [sflag:s14], $0x800;
	(pc) =	sbr.rel @p0 .LBB2_2-.Ltmp0, $4  }
0x3d: {  	[sflag:s14] =	ssyncset.done $0x0  }
0x3e: {  	[sflag:s14] =	ssyncadd.s32 $0xFFFFF800  }
0x3f: {  	_ =	swait.ge [sflag:s14], $0x800  }
0x40: {  	s17 =	smov.u32 s19;
	[sflag:s14] =	ssyncset.done $0x0  }
0x41: {  	s16 =	sshra.s32 s16, $0x2;
	[sflag:s14] =	ssyncadd.s32 $0xFFFFF800  }
0x42: {  	[spmem:s3] =	stream.indirect.scatter.add.f32 [tilespmem:s12], [sflag:$0x1], $0x10, s16, s13, $0xb8;
	[tilespmem:$0x5800] =	vst v63  }
0x43: {  	s17 =	sadd.s32 $0x80, s16  }
0x44: {  	[spmem:s3] =	stream.indirect.scatter.add.f32 [tilespmem:s12], [sflag:$0x1], $0x10, s17, s13, $0xb8;
	[tilespmem:$0x5800] =	vst v63  }
0x45: {  	s31 =	sadd.s32 $0x100, s16  }
0x46: {  	[spmem:s3] =	stream.indirect.scatter.add.f32 [tilespmem:s12], [sflag:$0x1], $0x10, s31, s13, $0xb8;
	[tilespmem:$0x5800] =	vst v63  }
0x47: {  	s16 =	sadd.s32 $0x180, s16  }
0x48: {  	[spmem:s3] =	stream.indirect.scatter.add.f32 [tilespmem:s12], [sflag:$0x1], $0x10, s16, s13, $0xb8;
	[tilespmem:$0x5800] =	vst v63  }
0x49: {  	_ =	swait.ge [sflag:s14], $0x800  }
0x4a: {  	[sflag:s14] =	ssyncset.done $0x0  }
0x4b: {  	[sflag:s14] =	ssyncadd.s32 $0xFFFFF800  }
0x4c: {  	_ =	swait.ge [sflag:s14], $0x800  }
0x4d: {  	[sflag:s14] =	ssyncset.done $0x0  }
0x4e: {  	[sflag:s14] =	ssyncadd.s32 $0xFFFFF800  }
0x4f: {  	_ =	swait.ge [sflag:s14], $0x800  }
0x50: {  	[sflag:s14] =	ssyncset.done $0x0  }
0x51: {  	[sflag:s14] =	ssyncadd.s32 $0xFFFFF800  }
0x52: {  	_ =	swait.ge [sflag:s14], $0x800  }
0x53: {  	s15 =	sadd.s32 $0x1, s15;
	[sflag:s14] =	ssyncset.done $0x0  }
0x54: {  	p0 =	sne.s32 s15, s9;
	[sflag:s14] =	ssyncadd.s32 $0xFFFFF800  }
.Ltmp1:
0x55: {  	[bflag:$0x0] =	sbarrier.arrive $0xFFFF;
	(pc) =	sbr.rel @p0 .LBB2_1-.Ltmp1, $4  }
0x56: {  	[hbm:s8], [sflag:s6] =	dma.local [spmem:s10], $0x500  }
0x57: {  	_ =	swait.ge [sflag:s11], $0x500  }
0x58: {  	[sflag:s11] =	ssyncset.done $0x0  }
0x59: {  	[sflag:s11] =	ssyncadd.s32 $0xFFFFFB00  }
0x5a: {  	_ =	sfence.sel $0x180000  }
0x5b: {  	[bflag:$0x0] =	sbarrier.arrive $0xFFFF  }
0x5c: {  	p0 =	sne.s32 s0, $0x0;
	_ =	strace $0x90000047  }
0x5d: {  	s0 =	sadd.s32 @!p0 $0x100000, s1;
	[bflag:$0x2] =	sbarrier.arrive $0xFFFF  }
0x5e: {  	[sflag:s0] =	ssyncadd.tile.s32 @!p0 $0x1;
	_ =	shalt  }
.Lfunc_end2:
_tile_overlayer_lowered:
.L_overlay_start_2:
0x5f: {  	(tag) =	ssettag $0x2  }
0x60: {  	s0 =	rddreg [dreg:$0x0];
	s2 =	stileid.u32  }
0x61: {  	s1 =	rddreg [dreg:$0x1];
	p0 =	sne.s32 s2, $0x0  }
0x62: {  	s3 =	rddreg [dreg:$0x2];
	[bflag:$0x3] =	sbarrier.arrive $0xFFFF;
	s2 =	simm.s32 @!p0 $0x1C02  }
0x63: {  	[timem:s3], [sflag:s2] =	dma.local @!p0 [hbm:s0], s1  }
0x64: {  	s0 =	simm.s32 @!p0 $0x2  }
0x65: {  	_ =	swait.ge @!p0 [sflag:s0], s1  }
0x66: {  	s1 =	ssub.s32 @!p0 $0x0, s1;
	[sflag:s0] =	ssyncset.done @!p0 $0x0  }
0x67: {  	[sflag:s0] =	ssyncadd.s32 @!p0 s1  }
0x68: {  	[bflag:$0x3] =	sbarrier.arrive $0xFFFF  }
0x69: {  	_ =	shalt  }

</sc_bundles>
